<compile_context>
chip_gen: v7x
topology: tpu7x:2x2x1
jax: 0.10.2.dev20260603
libtpu: 0.0.44.dev20260713+nightly
codegen_flags: <defaults>
</compile_context>

<pallas_src>
import functools

import jax
import jax.numpy as jnp
from jax import lax
from jax.experimental import pallas as pl
from jax.experimental.pallas import tpu as pltpu
from jax.experimental.pallas import tpu_sc as plsc

N = 10000
E = 160000
D = 256
H = 128
NT = 16
NC = 2
EPT = E // NT
CK = 125
CH = EPT // CK
NSEG = 2
SCH = CH // NSEG

_mesh = plsc.VectorSubcoreMesh(core_axis_name="c", subcore_axis_name="s")


@functools.partial(
    pl.kernel,
    out_type=jax.ShapeDtypeStruct((NT, N), jnp.float32),
    mesh=_mesh,
    scratch_types=[
        pltpu.VMEM((EPT,), jnp.int32),
        pltpu.VMEM((N,), jnp.float32),
    ],
    compiler_params=pltpu.CompilerParams(needs_layout_passes=False),
)
def _deg_kernel(dst_hbm, out_hbm, dstbuf, hist):
    c = lax.axis_index("c")
    s = lax.axis_index("s")

    @pl.when(c == 0)
    def _():
        pltpu.sync_copy(dst_hbm.at[s], dstbuf)

        def zero(i, carry):
            hist[pl.ds(i * 16, 16)] = jnp.zeros((16,), jnp.float32)
            return carry

        lax.fori_loop(0, N // 16, zero, 0)

        ones = jnp.ones((16,), jnp.float32)

        def body(r, carry):
            for k in range(5):
                idx = dstbuf[pl.ds(r * 80 + k * 16, 16)]
                plsc.addupdate_scatter(hist, [idx], ones)
            return carry

        lax.fori_loop(0, EPT // 80, body, 0)
        pltpu.sync_copy(hist, out_hbm.at[s])


def _mm_body(x_ref, w_ref, degp_ref, out_ref):
    deg = 1.0 + jnp.sum(degp_ref[...], axis=1, keepdims=True)
    dis = lax.rsqrt(deg)
    h = jnp.dot(x_ref[...], w_ref[...], preferred_element_type=jnp.float32)
    h = h * dis
    out_ref[0] = h[:, :H]
    out_ref[1] = h[:, H:]


def _mm_call(x, W, degp_t):
    return pl.pallas_call(
        _mm_body,
        grid=(10,),
        in_specs=[
            pl.BlockSpec((N // 10, D), lambda i: (i, 0)),
            pl.BlockSpec((D, D), lambda i: (0, 0)),
            pl.BlockSpec((N // 10, NT), lambda i: (i, 0)),
        ],
        out_specs=pl.BlockSpec((NC, N // 10, H), lambda i: (0, i, 0)),
        out_shape=jax.ShapeDtypeStruct((NC, N, H), jnp.float32),
    )(x, W, degp_t)


@functools.partial(
    pl.kernel,
    out_type=jax.ShapeDtypeStruct((NC, N, H), jnp.float32),
    mesh=_mesh,
    scratch_types=[
        pltpu.VMEM((SCH, CK), jnp.int32),
        pltpu.VMEM((SCH, CK), jnp.int32),
        pltpu.VMEM((CK, H), jnp.float32),
        pltpu.VMEM((CK, H), jnp.float32),
        pltpu.VMEM_SHARED((N, H), jnp.float32),
        pltpu.SemaphoreType.DMA,
        pltpu.SemaphoreType.DMA,
    ],
    compiler_params=pltpu.CompilerParams(needs_layout_passes=False),
)
def _agg_kernel(src2_hbm, dst_hbm, h2_hbm, zero_hbm, out_hbm,
                srcbuf, dstbuf, rows_a, rows_b, acc, sem_a, sem_b):
    c = lax.axis_index("c")
    s = lax.axis_index("s")

    def gather(j, rows, sem):
        pltpu.async_copy(h2_hbm.at[srcbuf.at[j]], rows, sem)

    def gwait(j, rows, sem):
        pltpu.make_async_copy(h2_hbm.at[srcbuf.at[j]], rows, sem).wait()

    def scatter(j, rows):
        pltpu.sync_copy(rows, acc.at[dstbuf.at[j]], add=True)

    for seg in range(NSEG):
        pltpu.sync_copy(src2_hbm.at[c, s, seg], srcbuf)
        pltpu.sync_copy(dst_hbm.at[s, seg], dstbuf)
        gather(0, rows_a, sem_a)
        if seg == 0:
            @pl.when(s == 0)
            def _():
                pltpu.sync_copy(zero_hbm, acc)

            plsc.subcore_barrier()

        def body(i, carry):
            j0 = 2 * i
            gwait(j0, rows_a, sem_a)
            gather(j0 + 1, rows_b, sem_b)
            scatter(j0, rows_a)
            gwait(j0 + 1, rows_b, sem_b)

            @pl.when(i < SCH // 2 - 1)
            def _():
                gather(j0 + 2, rows_a, sem_a)

            scatter(j0 + 1, rows_b)
            return carry

        lax.fori_loop(0, SCH // 2, body, 0)
    plsc.subcore_barrier()

    @pl.when(s == 0)
    def _():
        pltpu.sync_copy(acc, out_hbm.at[c])


def _ep_body(acc_ref, h2_ref, degp_ref, b_ref, out_ref):
    deg = 1.0 + jnp.sum(degp_ref[...], axis=1, keepdims=True)
    dis = lax.rsqrt(deg)
    af = jnp.concatenate([acc_ref[0], acc_ref[1]], axis=1)
    hf = jnp.concatenate([h2_ref[0], h2_ref[1]], axis=1)
    v = dis * (af + hf) + b_ref[0:1, :]
    out_ref[...] = jnp.maximum(v, 0.0)


def _ep_call(acc, h2, degp_t, b8):
    return pl.pallas_call(
        _ep_body,
        grid=(10,),
        in_specs=[
            pl.BlockSpec((NC, N // 10, H), lambda i: (0, i, 0)),
            pl.BlockSpec((NC, N // 10, H), lambda i: (0, i, 0)),
            pl.BlockSpec((N // 10, NT), lambda i: (i, 0)),
            pl.BlockSpec((8, D), lambda i: (0, 0)),
        ],
        out_specs=pl.BlockSpec((N // 10, D), lambda i: (i, 0)),
        out_shape=jax.ShapeDtypeStruct((N, D), jnp.float32),
    )(acc, h2, degp_t, b8)


@jax.jit
def kernel(x, edge_index, W, b):
    src = edge_index[0].astype(jnp.int32)
    dst = edge_index[1].astype(jnp.int32)

    dst_flat = dst.reshape(NT, EPT)
    dst_r = dst.reshape(NT, NSEG, SCH, CK)
    src2 = (src[None, :] + jnp.array([[0], [N]], jnp.int32)).reshape(
        NC, NT, NSEG, SCH, CK)

    degp = _deg_kernel(dst_flat)
    degp_t = degp.T

    h2 = _mm_call(x, W, degp_t)
    h2_flat = h2.reshape(NC * N, H)

    zeros = jnp.zeros((N, H), jnp.float32)
    acc = _agg_kernel(src2, dst_r, h2_flat, zeros)

    b8 = jnp.broadcast_to(b, (8, D))
    return _ep_call(acc, h2, degp_t, b8)

# --- scband reference (transcript-rebuilt; emitter-appended) ---
"""Pipeline reference for scband-gcnbase-3075196584515 (READ-ONLY COPY).

The authoritative reference and input builder live on the scoring server;
editing this copy changes nothing except your own understanding.
"""

import jax, jax.numpy as jnp
import numpy as np

N_NODES = 10000
N_EDGES = 160000
D_IN = 256
D_OUT = 256


def setup_inputs(seed: int = 0) -> dict:
    key = jax.random.key(seed)
    k1, k2, k3 = jax.random.split(key, 3)
    x = jax.random.normal(k1, (N_NODES, D_IN), dtype=jnp.float32)
    edge_index = jax.random.randint(k2, (2, N_EDGES), 0, N_NODES, dtype=jnp.int64)
    # Learned params of GCNConv (linear weight applied as x @ W, plus bias),
    # orthogonal-style init approximated with scaled normal.
    W = jax.random.normal(k3, (D_IN, D_OUT), dtype=jnp.float32) * (1.0 / np.sqrt(D_IN))
    b = jnp.zeros((D_OUT,), dtype=jnp.float32)
    return {"x": x, "edge_index": edge_index, "W": W, "b": b}


def reference(x, edge_index, W, b):
    N = x.shape[0]
    # GCNConv (PyG semantics): add self-loops, symmetric normalization
    loop = jnp.arange(N, dtype=edge_index.dtype)
    src = jnp.concatenate([edge_index[0], loop])
    dst = jnp.concatenate([edge_index[1], loop])
    # degree computed on destination (col) including self-loops
    deg = jnp.zeros((N,), dtype=jnp.float32).at[dst].add(1.0)
    deg_inv_sqrt = jnp.where(deg > 0, 1.0 / jnp.sqrt(deg), 0.0)
    norm = deg_inv_sqrt[src] * deg_inv_sqrt[dst]
    # linear transform first (compute-heavy), then gather / scatter-add
    h = x @ W
    msg = h[src] * norm[:, None]
    out = jnp.zeros((N, h.shape[1]), dtype=h.dtype).at[dst].add(msg)
    out = out + b
    # activation (relu) from GCNLayer
    return jax.nn.relu(out)

if __name__ == "__main__":
    import jax
    _d = setup_inputs()
    print(jax.jit(kernel)(*tuple(_d.values())))

</pallas_src>

<mosaic_0001>
#map = affine_map<(d0, d1) -> (0, 0)>
module attributes {stable_mosaic.version = 14 : i64} {
  func.func @_deg_kernel(%arg0: i32, %arg1: i32, %arg2: memref<16x10000xi32, #tpu.memory_space<hbm>>, %arg3: memref<16x10000xf32, #tpu.memory_space<hbm>>, %arg4: memref<10000xi32, #tpu.memory_space<vmem>>, %arg5: memref<10000xf32, #tpu.memory_space<vmem>>) attributes {dimension_semantics = [#tpu.dimension_semantics<core_parallel>, #tpu.dimension_semantics<subcore_parallel>], iteration_bounds = array<i64: 2, 16>, scalar_prefetch = 0 : i64, scratch_operands = 2 : i64, tpu.core_type = #tpu.core_type<sc_vector_subcore>, window_params = [{transform_indices = #map}, {transform_indices = #map}]} {
    %eq3A = arith.constant 0 : i32
    %eq3A_0 = arith.cmpi eq, %arg0, %eq3A : i32
    %convert_element_type3A = arith.extui %eq3A_0 : i1 to i32
    %cond3A = arith.constant 0 : i32
    %cond3A_1 = arith.cmpi ne, %convert_element_type3A, %cond3A : i32
    scf.if %cond3A_1 {
      "tpu.region"() ({
        %run_scoped3A = tpu.sem_alloc : memref<!tpu.dma_semaphore, #tpu.memory_space<semaphore_mem>>
        %dma_start3A = arith.constant 0 : i32
        %dma_start3A_14 = tpu.memref_slice %arg2[%arg1, %dma_start3A] : memref<16x10000xi32, #tpu.memory_space<hbm>> -> memref<1x10000xi32, #tpu.memory_space<hbm>>
        %dma_start3A_15 = tpu.memref_squeeze %dma_start3A_14 : memref<1x10000xi32, #tpu.memory_space<hbm>> -> memref<10000xi32, #tpu.memory_space<hbm>>
        %dma_start3A_16 = arith.constant 0 : i32
        %dma_start3A_17 = tpu.memref_slice %arg2[%arg1, %dma_start3A_16] : memref<16x10000xi32, #tpu.memory_space<hbm>> -> memref<1x10000xi32, #tpu.memory_space<hbm>>
        %dma_start3A_18 = tpu.memref_squeeze %dma_start3A_17 : memref<1x10000xi32, #tpu.memory_space<hbm>> -> memref<10000xi32, #tpu.memory_space<hbm>>
        tpu.enqueue_dma source(%dma_start3A_18 : memref<10000xi32, #tpu.memory_space<hbm>>) target(%arg4 : memref<10000xi32, #tpu.memory_space<vmem>>) target_semaphore(%run_scoped3A : memref<!tpu.dma_semaphore, #tpu.memory_space<semaphore_mem>>)
        %dma_wait3A = arith.constant 0 : i32
        %dma_wait3A_19 = tpu.memref_slice %arg2[%arg1, %dma_wait3A] : memref<16x10000xi32, #tpu.memory_space<hbm>> -> memref<1x10000xi32, #tpu.memory_space<hbm>>
        %dma_wait3A_20 = tpu.memref_squeeze %dma_wait3A_19 : memref<1x10000xi32, #tpu.memory_space<hbm>> -> memref<10000xi32, #tpu.memory_space<hbm>>
        %dma_wait3A_21 = arith.constant 0 : i32
        %dma_wait3A_22 = tpu.memref_slice %arg2[%arg1, %dma_wait3A_21] : memref<16x10000xi32, #tpu.memory_space<hbm>> -> memref<1x10000xi32, #tpu.memory_space<hbm>>
        %dma_wait3A_23 = tpu.memref_squeeze %dma_wait3A_22 : memref<1x10000xi32, #tpu.memory_space<hbm>> -> memref<10000xi32, #tpu.memory_space<hbm>>
        tpu.wait_dma2 semaphore(%run_scoped3A : memref<!tpu.dma_semaphore, #tpu.memory_space<semaphore_mem>>) src(%dma_wait3A_23 : memref<10000xi32, #tpu.memory_space<hbm>>) dst(%arg4 : memref<10000xi32, #tpu.memory_space<vmem>>)
        tpu.yield
      }) : () -> ()
      %scan3A = arith.constant 0 : i32
      %scan3A_2 = arith.constant 0 : i32
      %scan3A_3 = arith.constant 625 : i32
      %scan3A_4 = arith.addi %scan3A_2, %scan3A_3 : i32
      %scan3A_5 = arith.constant 1 : i32
      scf.for %scan3A_14 = %scan3A_2 to %scan3A_4 step %scan3A_5  : i32 {
        %broadcast_in_dim3A_15 = arith.constant 0.000000e+00 : f32
        %broadcast_in_dim3A_16 = vector.broadcast %broadcast_in_dim3A_15 : f32 to vector<16xf32>
        %mul3A = arith.constant 16 : i32
        %mul3A_17 = arith.muli %scan3A_14, %mul3A : i32
        %swap3A = arith.index_cast %mul3A_17 : i32 to index
        %swap3A_18 = tpu.vector_load %arg5[%swap3A] {strides = array<i32>} : memref<10000xf32, #tpu.memory_space<vmem>>, vector<16xf32>,
        tpu.vector_store %arg5[%swap3A], %broadcast_in_dim3A_16 {strides = array<i32>} : memref<10000xf32, #tpu.memory_space<vmem>>, vector<16xf32>,
      }
      %scan3A_6 = arith.constant 625 : i32
      %broadcast_in_dim3A = arith.constant 1.000000e+00 : f32
      %broadcast_in_dim3A_7 = vector.broadcast %broadcast_in_dim3A : f32 to vector<16xf32>
      %scan3A_8 = arith.constant 0 : i32
      %scan3A_9 = arith.constant 0 : i32
      %scan3A_10 = arith.constant 125 : i32
      %scan3A_11 = arith.addi %scan3A_9, %scan3A_10 : i32
      %scan3A_12 = arith.constant 1 : i32
      scf.for %scan3A_14 = %scan3A_9 to %scan3A_11 step %scan3A_12  : i32 {
        %mul3A = arith.constant 80 : i32
        %mul3A_15 = arith.muli %scan3A_14, %mul3A : i32
        %add3A = arith.constant 0 : i32
        %add3A_16 = arith.addi %mul3A_15, %add3A : i32
        %get3A = arith.index_cast %add3A_16 : i32 to index
        %get3A_17 = tpu.vector_load %arg4[%get3A] {strides = array<i32>} : memref<10000xi32, #tpu.memory_space<vmem>>, vector<16xi32>,
        tpu.vector_store_idx %arg5[%get3A_17], %broadcast_in_dim3A_7 {add = true} : memref<10000xf32, #tpu.memory_space<vmem>>[vector<16xi32>], vector<16xf32>,
        %mul3A_18 = arith.constant 80 : i32
        %mul3A_19 = arith.muli %scan3A_14, %mul3A_18 : i32
        %add3A_20 = arith.constant 16 : i32
        %add3A_21 = arith.addi %mul3A_19, %add3A_20 : i32
        %get3A_22 = arith.index_cast %add3A_21 : i32 to index
        %get3A_23 = tpu.vector_load %arg4[%get3A_22] {strides = array<i32>} : memref<10000xi32, #tpu.memory_space<vmem>>, vector<16xi32>,
        tpu.vector_store_idx %arg5[%get3A_23], %broadcast_in_dim3A_7 {add = true} : memref<10000xf32, #tpu.memory_space<vmem>>[vector<16xi32>], vector<16xf32>,
        %mul3A_24 = arith.constant 80 : i32
        %mul3A_25 = arith.muli %scan3A_14, %mul3A_24 : i32
        %add3A_26 = arith.constant 32 : i32
        %add3A_27 = arith.addi %mul3A_25, %add3A_26 : i32
        %get3A_28 = arith.index_cast %add3A_27 : i32 to index
        %get3A_29 = tpu.vector_load %arg4[%get3A_28] {strides = array<i32>} : memref<10000xi32, #tpu.memory_space<vmem>>, vector<16xi32>,
        tpu.vector_store_idx %arg5[%get3A_29], %broadcast_in_dim3A_7 {add = true} : memref<10000xf32, #tpu.memory_space<vmem>>[vector<16xi32>], vector<16xf32>,
        %mul3A_30 = arith.constant 80 : i32
        %mul3A_31 = arith.muli %scan3A_14, %mul3A_30 : i32
        %add3A_32 = arith.constant 48 : i32
        %add3A_33 = arith.addi %mul3A_31, %add3A_32 : i32
        %get3A_34 = arith.index_cast %add3A_33 : i32 to index
        %get3A_35 = tpu.vector_load %arg4[%get3A_34] {strides = array<i32>} : memref<10000xi32, #tpu.memory_space<vmem>>, vector<16xi32>,
        tpu.vector_store_idx %arg5[%get3A_35], %broadcast_in_dim3A_7 {add = true} : memref<10000xf32, #tpu.memory_space<vmem>>[vector<16xi32>], vector<16xf32>,
        %mul3A_36 = arith.constant 80 : i32
        %mul3A_37 = arith.muli %scan3A_14, %mul3A_36 : i32
        %add3A_38 = arith.constant 64 : i32
        %add3A_39 = arith.addi %mul3A_37, %add3A_38 : i32
        %get3A_40 = arith.index_cast %add3A_39 : i32 to index
        %get3A_41 = tpu.vector_load %arg4[%get3A_40] {strides = array<i32>} : memref<10000xi32, #tpu.memory_space<vmem>>, vector<16xi32>,
        tpu.vector_store_idx %arg5[%get3A_41], %broadcast_in_dim3A_7 {add = true} : memref<10000xf32, #tpu.memory_space<vmem>>[vector<16xi32>], vector<16xf32>,
      }
      %scan3A_13 = arith.constant 125 : i32
      "tpu.region"() ({
        %run_scoped3A = tpu.sem_alloc : memref<!tpu.dma_semaphore, #tpu.memory_space<semaphore_mem>>
        %dma_start3A = arith.constant 0 : i32
        %dma_start3A_14 = tpu.memref_slice %arg3[%arg1, %dma_start3A] : memref<16x10000xf32, #tpu.memory_space<hbm>> -> memref<1x10000xf32, #tpu.memory_space<hbm>>
        %dma_start3A_15 = tpu.memref_squeeze %dma_start3A_14 : memref<1x10000xf32, #tpu.memory_space<hbm>> -> memref<10000xf32, #tpu.memory_space<hbm>>
        %dma_start3A_16 = arith.constant 0 : i32
        %dma_start3A_17 = tpu.memref_slice %arg3[%arg1, %dma_start3A_16] : memref<16x10000xf32, #tpu.memory_space<hbm>> -> memref<1x10000xf32, #tpu.memory_space<hbm>>
        %dma_start3A_18 = tpu.memref_squeeze %dma_start3A_17 : memref<1x10000xf32, #tpu.memory_space<hbm>> -> memref<10000xf32, #tpu.memory_space<hbm>>
        tpu.enqueue_dma source(%arg5 : memref<10000xf32, #tpu.memory_space<vmem>>) target(%dma_start3A_18 : memref<10000xf32, #tpu.memory_space<hbm>>) target_semaphore(%run_scoped3A : memref<!tpu.dma_semaphore, #tpu.memory_space<semaphore_mem>>)
        %dma_wait3A = arith.constant 0 : i32
        %dma_wait3A_19 = tpu.memref_slice %arg3[%arg1, %dma_wait3A] : memref<16x10000xf32, #tpu.memory_space<hbm>> -> memref<1x10000xf32, #tpu.memory_space<hbm>>
        %dma_wait3A_20 = tpu.memref_squeeze %dma_wait3A_19 : memref<1x10000xf32, #tpu.memory_space<hbm>> -> memref<10000xf32, #tpu.memory_space<hbm>>
        %dma_wait3A_21 = arith.constant 0 : i32
        %dma_wait3A_22 = tpu.memref_slice %arg3[%arg1, %dma_wait3A_21] : memref<16x10000xf32, #tpu.memory_space<hbm>> -> memref<1x10000xf32, #tpu.memory_space<hbm>>
        %dma_wait3A_23 = tpu.memref_squeeze %dma_wait3A_22 : memref<1x10000xf32, #tpu.memory_space<hbm>> -> memref<10000xf32, #tpu.memory_space<hbm>>
        tpu.wait_dma2 semaphore(%run_scoped3A : memref<!tpu.dma_semaphore, #tpu.memory_space<semaphore_mem>>) src(%arg5 : memref<10000xf32, #tpu.memory_space<vmem>>) dst(%dma_wait3A_23 : memref<10000xf32, #tpu.memory_space<hbm>>)
        tpu.yield
      }) : () -> ()
    } else {
    }
    return
  }
}

#map = affine_map<(d0, d1) -> (0, 0, 0, 0, 0)>
#map1 = affine_map<(d0, d1) -> (0, 0, 0, 0)>
#map2 = affine_map<(d0, d1) -> (0, 0)>
#map3 = affine_map<(d0, d1) -> (0, 0, 0)>
module attributes {stable_mosaic.version = 14 : i64} {
  func.func @_agg_kernel(%arg0: i32, %arg1: i32, %arg2: memref<2x16x2x40x125xi32, #tpu.memory_space<hbm>>, %arg3: memref<16x2x40x125xi32, #tpu.memory_space<hbm>>, %arg4: memref<20000x128xf32, #tpu.memory_space<hbm>>, %arg5: memref<10000x128xf32, #tpu.memory_space<hbm>>, %arg6: memref<2x10000x128xf32, #tpu.memory_space<hbm>>, %arg7: memref<40x125xi32, #tpu.memory_space<vmem>>, %arg8: memref<40x125xi32, #tpu.memory_space<vmem>>, %arg9: memref<125x128xf32, #tpu.memory_space<vmem>>, %arg10: memref<125x128xf32, #tpu.memory_space<vmem>>, %arg11: memref<10000x128xf32, #tpu.memory_space<vmem_shared>>, %arg12: memref<!tpu.dma_semaphore, #tpu.memory_space<semaphore_mem>>, %arg13: memref<!tpu.dma_semaphore, #tpu.memory_space<semaphore_mem>>) attributes {dimension_semantics = [#tpu.dimension_semantics<core_parallel>, #tpu.dimension_semantics<subcore_parallel>], iteration_bounds = array<i64: 2, 16>, scalar_prefetch = 0 : i64, scratch_operands = 7 : i64, tpu.core_type = #tpu.core_type<sc_vector_subcore>, window_params = [{transform_indices = #map}, {transform_indices = #map1}, {transform_indices = #map2}, {transform_indices = #map2}, {transform_indices = #map3}]} {
    %run_scoped3A = arith.constant 0 : i32
    "tpu.region"() ({
      %run_scoped3A_35 = tpu.sem_alloc : memref<!tpu.dma_semaphore, #tpu.memory_space<semaphore_mem>>
      %dma_start3A_36 = arith.constant 0 : i32
      %dma_start3A_37 = arith.constant 0 : i32
      %dma_start3A_38 = tpu.memref_slice %arg2[%arg0, %arg1, %run_scoped3A, %dma_start3A_36, %dma_start3A_37] : memref<2x16x2x40x125xi32, #tpu.memory_space<hbm>> -> memref<1x1x1x40x125xi32, #tpu.memory_space<hbm>>
      %dma_start3A_39 = tpu.memref_squeeze %dma_start3A_38 : memref<1x1x1x40x125xi32, #tpu.memory_space<hbm>> -> memref<40x125xi32, #tpu.memory_space<hbm>>
      %dma_start3A_40 = arith.constant 0 : i32
      %dma_start3A_41 = arith.constant 0 : i32
      %dma_start3A_42 = tpu.memref_slice %arg2[%arg0, %arg1, %run_scoped3A, %dma_start3A_40, %dma_start3A_41] : memref<2x16x2x40x125xi32, #tpu.memory_space<hbm>> -> memref<1x1x1x40x125xi32, #tpu.memory_space<hbm>>
      %dma_start3A_43 = tpu.memref_squeeze %dma_start3A_42 : memref<1x1x1x40x125xi32, #tpu.memory_space<hbm>> -> memref<40x125xi32, #tpu.memory_space<hbm>>
      tpu.enqueue_dma source(%dma_start3A_43 : memref<40x125xi32, #tpu.memory_space<hbm>>) target(%arg7 : memref<40x125xi32, #tpu.memory_space<vmem>>) target_semaphore(%run_scoped3A_35 : memref<!tpu.dma_semaphore, #tpu.memory_space<semaphore_mem>>)
      %dma_wait3A = arith.constant 0 : i32
      %dma_wait3A_44 = arith.constant 0 : i32
      %dma_wait3A_45 = tpu.memref_slice %arg2[%arg0, %arg1, %run_scoped3A, %dma_wait3A, %dma_wait3A_44] : memref<2x16x2x40x125xi32, #tpu.memory_space<hbm>> -> memref<1x1x1x40x125xi32, #tpu.memory_space<hbm>>
      %dma_wait3A_46 = tpu.memref_squeeze %dma_wait3A_45 : memref<1x1x1x40x125xi32, #tpu.memory_space<hbm>> -> memref<40x125xi32, #tpu.memory_space<hbm>>
      %dma_wait3A_47 = arith.constant 0 : i32
      %dma_wait3A_48 = arith.constant 0 : i32
      %dma_wait3A_49 = tpu.memref_slice %arg2[%arg0, %arg1, %run_scoped3A, %dma_wait3A_47, %dma_wait3A_48] : memref<2x16x2x40x125xi32, #tpu.memory_space<hbm>> -> memref<1x1x1x40x125xi32, #tpu.memory_space<hbm>>
      %dma_wait3A_50 = tpu.memref_squeeze %dma_wait3A_49 : memref<1x1x1x40x125xi32, #tpu.memory_space<hbm>> -> memref<40x125xi32, #tpu.memory_space<hbm>>
      tpu.wait_dma2 semaphore(%run_scoped3A_35 : memref<!tpu.dma_semaphore, #tpu.memory_space<semaphore_mem>>) src(%dma_wait3A_50 : memref<40x125xi32, #tpu.memory_space<hbm>>) dst(%arg7 : memref<40x125xi32, #tpu.memory_space<vmem>>)
      tpu.yield
    }) : () -> ()
    %run_scoped3A_0 = arith.constant 0 : i32
    "tpu.region"() ({
      %run_scoped3A_35 = tpu.sem_alloc : memref<!tpu.dma_semaphore, #tpu.memory_space<semaphore_mem>>
      %dma_start3A_36 = arith.constant 0 : i32
      %dma_start3A_37 = arith.constant 0 : i32
      %dma_start3A_38 = tpu.memref_slice %arg3[%arg1, %run_scoped3A_0, %dma_start3A_36, %dma_start3A_37] : memref<16x2x40x125xi32, #tpu.memory_space<hbm>> -> memref<1x1x40x125xi32, #tpu.memory_space<hbm>>
      %dma_start3A_39 = tpu.memref_squeeze %dma_start3A_38 : memref<1x1x40x125xi32, #tpu.memory_space<hbm>> -> memref<40x125xi32, #tpu.memory_space<hbm>>
      %dma_start3A_40 = arith.constant 0 : i32
      %dma_start3A_41 = arith.constant 0 : i32
      %dma_start3A_42 = tpu.memref_slice %arg3[%arg1, %run_scoped3A_0, %dma_start3A_40, %dma_start3A_41] : memref<16x2x40x125xi32, #tpu.memory_space<hbm>> -> memref<1x1x40x125xi32, #tpu.memory_space<hbm>>
      %dma_start3A_43 = tpu.memref_squeeze %dma_start3A_42 : memref<1x1x40x125xi32, #tpu.memory_space<hbm>> -> memref<40x125xi32, #tpu.memory_space<hbm>>
      tpu.enqueue_dma source(%dma_start3A_43 : memref<40x125xi32, #tpu.memory_space<hbm>>) target(%arg8 : memref<40x125xi32, #tpu.memory_space<vmem>>) target_semaphore(%run_scoped3A_35 : memref<!tpu.dma_semaphore, #tpu.memory_space<semaphore_mem>>)
      %dma_wait3A = arith.constant 0 : i32
      %dma_wait3A_44 = arith.constant 0 : i32
      %dma_wait3A_45 = tpu.memref_slice %arg3[%arg1, %run_scoped3A_0, %dma_wait3A, %dma_wait3A_44] : memref<16x2x40x125xi32, #tpu.memory_space<hbm>> -> memref<1x1x40x125xi32, #tpu.memory_space<hbm>>
      %dma_wait3A_46 = tpu.memref_squeeze %dma_wait3A_45 : memref<1x1x40x125xi32, #tpu.memory_space<hbm>> -> memref<40x125xi32, #tpu.memory_space<hbm>>
      %dma_wait3A_47 = arith.constant 0 : i32
      %dma_wait3A_48 = arith.constant 0 : i32
      %dma_wait3A_49 = tpu.memref_slice %arg3[%arg1, %run_scoped3A_0, %dma_wait3A_47, %dma_wait3A_48] : memref<16x2x40x125xi32, #tpu.memory_space<hbm>> -> memref<1x1x40x125xi32, #tpu.memory_space<hbm>>
      %dma_wait3A_50 = tpu.memref_squeeze %dma_wait3A_49 : memref<1x1x40x125xi32, #tpu.memory_space<hbm>> -> memref<40x125xi32, #tpu.memory_space<hbm>>
      tpu.wait_dma2 semaphore(%run_scoped3A_35 : memref<!tpu.dma_semaphore, #tpu.memory_space<semaphore_mem>>) src(%dma_wait3A_50 : memref<40x125xi32, #tpu.memory_space<hbm>>) dst(%arg8 : memref<40x125xi32, #tpu.memory_space<vmem>>)
      tpu.yield
    }) : () -> ()
    %dma_start3A = arith.constant 0 : i32
    %dma_start3A_1 = arith.constant 0 : i32
    %dma_start3A_2 = tpu.memref_slice %arg7[%dma_start3A, %dma_start3A_1] : memref<40x125xi32, #tpu.memory_space<vmem>> -> memref<1x125xi32, #tpu.memory_space<vmem>>
    %dma_start3A_3 = tpu.memref_squeeze %dma_start3A_2 : memref<1x125xi32, #tpu.memory_space<vmem>> -> memref<125xi32, #tpu.memory_space<vmem>>
    %dma_start3A_4 = arith.constant 0 : i32
    %dma_start3A_5 = arith.constant 0 : i32
    %dma_start3A_6 = tpu.memref_slice %arg4[%dma_start3A_4, %dma_start3A_5] : memref<20000x128xf32, #tpu.memory_space<hbm>> -> memref<20000x128xf32, #tpu.memory_space<hbm>>
    tpu.enqueue_indirect_dma source(%dma_start3A_6 : memref<20000x128xf32, #tpu.memory_space<hbm>>) target(%arg9 : memref<125x128xf32, #tpu.memory_space<vmem>>) offsets(%dma_start3A_3 : memref<125xi32, #tpu.memory_space<vmem>>) semaphore(%arg12 : memref<!tpu.dma_semaphore, #tpu.memory_space<semaphore_mem>>)
    %eq3A = arith.constant 0 : i32
    %eq3A_7 = arith.cmpi eq, %arg1, %eq3A : i32
    %convert_element_type3A = arith.extui %eq3A_7 : i1 to i32
    %cond3A = arith.constant 0 : i32
    %cond3A_8 = arith.cmpi ne, %convert_element_type3A, %cond3A : i32
    scf.if %cond3A_8 {
      "tpu.region"() ({
        %run_scoped3A_35 = tpu.sem_alloc : memref<!tpu.dma_semaphore, #tpu.memory_space<semaphore_mem>>
        tpu.enqueue_dma source(%arg5 : memref<10000x128xf32, #tpu.memory_space<hbm>>) target(%arg11 : memref<10000x128xf32, #tpu.memory_space<vmem_shared>>) target_semaphore(%run_scoped3A_35 : memref<!tpu.dma_semaphore, #tpu.memory_space<semaphore_mem>>)
        tpu.wait_dma2 semaphore(%run_scoped3A_35 : memref<!tpu.dma_semaphore, #tpu.memory_space<semaphore_mem>>) src(%arg5 : memref<10000x128xf32, #tpu.memory_space<hbm>>) dst(%arg11 : memref<10000x128xf32, #tpu.memory_space<vmem_shared>>)
        tpu.yield
      }) : () -> ()
    } else {
    }
    %barrier3A = arith.constant 0 : index
    tpu.barrier barrier_id(%barrier3A)
    %scan3A = arith.constant 0 : i32
    %scan3A_9 = arith.constant 0 : i32
    %scan3A_10 = arith.constant 20 : i32
    %scan3A_11 = arith.addi %scan3A_9, %scan3A_10 : i32
    %scan3A_12 = arith.constant 1 : i32
    scf.for %scan3A_35 = %scan3A_9 to %scan3A_11 step %scan3A_12  : i32 {
      %mul3A = arith.constant 2 : i32
      %mul3A_36 = arith.muli %mul3A, %scan3A_35 : i32
      %dma_wait3A = arith.constant 0 : i32
      %dma_wait3A_37 = tpu.memref_slice %arg7[%mul3A_36, %dma_wait3A] : memref<40x125xi32, #tpu.memory_space<vmem>> -> memref<1x125xi32, #tpu.memory_space<vmem>>
      %dma_wait3A_38 = tpu.memref_squeeze %dma_wait3A_37 : memref<1x125xi32, #tpu.memory_space<vmem>> -> memref<125xi32, #tpu.memory_space<vmem>>
      %dma_wait3A_39 = arith.constant 0 : i32
      %dma_wait3A_40 = arith.constant 0 : i32
      %dma_wait3A_41 = tpu.memref_slice %arg4[%dma_wait3A_39, %dma_wait3A_40] : memref<20000x128xf32, #tpu.memory_space<hbm>> -> memref<20000x128xf32, #tpu.memory_space<hbm>>
      tpu.wait_indirect_dma semaphore(%arg12 : memref<!tpu.dma_semaphore, #tpu.memory_space<semaphore_mem>>) src(%dma_wait3A_41 : memref<20000x128xf32, #tpu.memory_space<hbm>>) dst(%arg9 : memref<125x128xf32, #tpu.memory_space<vmem>>)
      %add3A = arith.constant 1 : i32
      %add3A_42 = arith.addi %mul3A_36, %add3A : i32
      %dma_start3A_43 = arith.constant 0 : i32
      %dma_start3A_44 = tpu.memref_slice %arg7[%add3A_42, %dma_start3A_43] : memref<40x125xi32, #tpu.memory_space<vmem>> -> memref<1x125xi32, #tpu.memory_space<vmem>>
      %dma_start3A_45 = tpu.memref_squeeze %dma_start3A_44 : memref<1x125xi32, #tpu.memory_space<vmem>> -> memref<125xi32, #tpu.memory_space<vmem>>
      %dma_start3A_46 = arith.constant 0 : i32
      %dma_start3A_47 = arith.constant 0 : i32
      %dma_start3A_48 = tpu.memref_slice %arg4[%dma_start3A_46, %dma_start3A_47] : memref<20000x128xf32, #tpu.memory_space<hbm>> -> memref<20000x128xf32, #tpu.memory_space<hbm>>
      tpu.enqueue_indirect_dma source(%dma_start3A_48 : memref<20000x128xf32, #tpu.memory_space<hbm>>) target(%arg10 : memref<125x128xf32, #tpu.memory_space<vmem>>) offsets(%dma_start3A_45 : memref<125xi32, #tpu.memory_space<vmem>>) semaphore(%arg13 : memref<!tpu.dma_semaphore, #tpu.memory_space<semaphore_mem>>)
      "tpu.region"() ({
        %run_scoped3A_63 = tpu.sem_alloc : memref<!tpu.dma_semaphore, #tpu.memory_space<semaphore_mem>>
        %dma_start3A_64 = arith.constant 0 : i32
        %dma_start3A_65 = tpu.memref_slice %arg8[%mul3A_36, %dma_start3A_64] : memref<40x125xi32, #tpu.memory_space<vmem>> -> memref<1x125xi32, #tpu.memory_space<vmem>>
        %dma_start3A_66 = tpu.memref_squeeze %dma_start3A_65 : memref<1x125xi32, #tpu.memory_space<vmem>> -> memref<125xi32, #tpu.memory_space<vmem>>
        %dma_start3A_67 = arith.constant 0 : i32
        %dma_start3A_68 = arith.constant 0 : i32
        %dma_start3A_69 = tpu.memref_slice %arg11[%dma_start3A_67, %dma_start3A_68] : memref<10000x128xf32, #tpu.memory_space<vmem_shared>> -> memref<10000x128xf32, #tpu.memory_space<vmem_shared>>
        tpu.enqueue_indirect_dma source(%arg9 : memref<125x128xf32, #tpu.memory_space<vmem>>) target(%dma_start3A_69 : memref<10000x128xf32, #tpu.memory_space<vmem_shared>>) offsets(%dma_start3A_66 : memref<125xi32, #tpu.memory_space<vmem>>) semaphore(%run_scoped3A_63 : memref<!tpu.dma_semaphore, #tpu.memory_space<semaphore_mem>>) {add = true}
        %dma_wait3A_70 = arith.constant 0 : i32
        %dma_wait3A_71 = tpu.memref_slice %arg8[%mul3A_36, %dma_wait3A_70] : memref<40x125xi32, #tpu.memory_space<vmem>> -> memref<1x125xi32, #tpu.memory_space<vmem>>
        %dma_wait3A_72 = tpu.memref_squeeze %dma_wait3A_71 : memref<1x125xi32, #tpu.memory_space<vmem>> -> memref<125xi32, #tpu.memory_space<vmem>>
        %dma_wait3A_73 = arith.constant 0 : i32
        %dma_wait3A_74 = arith.constant 0 : i32
        %dma_wait3A_75 = tpu.memref_slice %arg11[%dma_wait3A_73, %dma_wait3A_74] : memref<10000x128xf32, #tpu.memory_space<vmem_shared>> -> memref<10000x128xf32, #tpu.memory_space<vmem_shared>>
        tpu.wait_indirect_dma semaphore(%run_scoped3A_63 : memref<!tpu.dma_semaphore, #tpu.memory_space<semaphore_mem>>) src(%arg9 : memref<125x128xf32, #tpu.memory_space<vmem>>) dst(%dma_wait3A_75 : memref<10000x128xf32, #tpu.memory_space<vmem_shared>>)
        tpu.yield
      }) : () -> ()
      %add3A_49 = arith.constant 1 : i32
      %add3A_50 = arith.addi %mul3A_36, %add3A_49 : i32
      %dma_wait3A_51 = arith.constant 0 : i32
      %dma_wait3A_52 = tpu.memref_slice %arg7[%add3A_50, %dma_wait3A_51] : memref<40x125xi32, #tpu.memory_space<vmem>> -> memref<1x125xi32, #tpu.memory_space<vmem>>
      %dma_wait3A_53 = tpu.memref_squeeze %dma_wait3A_52 : memref<1x125xi32, #tpu.memory_space<vmem>> -> memref<125xi32, #tpu.memory_space<vmem>>
      %dma_wait3A_54 = arith.constant 0 : i32
      %dma_wait3A_55 = arith.constant 0 : i32
      %dma_wait3A_56 = tpu.memref_slice %arg4[%dma_wait3A_54, %dma_wait3A_55] : memref<20000x128xf32, #tpu.memory_space<hbm>> -> memref<20000x128xf32, #tpu.memory_space<hbm>>
      tpu.wait_indirect_dma semaphore(%arg13 : memref<!tpu.dma_semaphore, #tpu.memory_space<semaphore_mem>>) src(%dma_wait3A_56 : memref<20000x128xf32, #tpu.memory_space<hbm>>) dst(%arg10 : memref<125x128xf32, #tpu.memory_space<vmem>>)
      %lt3A = arith.constant 19 : i32
      %lt3A_57 = arith.cmpi slt, %scan3A_35, %lt3A : i32
      %convert_element_type3A_58 = arith.extui %lt3A_57 : i1 to i32
      %cond3A_59 = arith.constant 0 : i32
      %cond3A_60 = arith.cmpi ne, %convert_element_type3A_58, %cond3A_59 : i32
      scf.if %cond3A_60 {
        %add3A_63 = arith.constant 2 : i32
        %add3A_64 = arith.addi %mul3A_36, %add3A_63 : i32
        %dma_start3A_65 = arith.constant 0 : i32
        %dma_start3A_66 = tpu.memref_slice %arg7[%add3A_64, %dma_start3A_65] : memref<40x125xi32, #tpu.memory_space<vmem>> -> memref<1x125xi32, #tpu.memory_space<vmem>>
        %dma_start3A_67 = tpu.memref_squeeze %dma_start3A_66 : memref<1x125xi32, #tpu.memory_space<vmem>> -> memref<125xi32, #tpu.memory_space<vmem>>
        %dma_start3A_68 = arith.constant 0 : i32
        %dma_start3A_69 = arith.constant 0 : i32
        %dma_start3A_70 = tpu.memref_slice %arg4[%dma_start3A_68, %dma_start3A_69] : memref<20000x128xf32, #tpu.memory_space<hbm>> -> memref<20000x128xf32, #tpu.memory_space<hbm>>
        tpu.enqueue_indirect_dma source(%dma_start3A_70 : memref<20000x128xf32, #tpu.memory_space<hbm>>) target(%arg9 : memref<125x128xf32, #tpu.memory_space<vmem>>) offsets(%dma_start3A_67 : memref<125xi32, #tpu.memory_space<vmem>>) semaphore(%arg12 : memref<!tpu.dma_semaphore, #tpu.memory_space<semaphore_mem>>)
      } else {
      }
      %add3A_61 = arith.constant 1 : i32
      %add3A_62 = arith.addi %mul3A_36, %add3A_61 : i32
      "tpu.region"() ({
        %run_scoped3A_63 = tpu.sem_alloc : memref<!tpu.dma_semaphore, #tpu.memory_space<semaphore_mem>>
        %dma_start3A_64 = arith.constant 0 : i32
        %dma_start3A_65 = tpu.memref_slice %arg8[%add3A_62, %dma_start3A_64] : memref<40x125xi32, #tpu.memory_space<vmem>> -> memref<1x125xi32, #tpu.memory_space<vmem>>
        %dma_start3A_66 = tpu.memref_squeeze %dma_start3A_65 : memref<1x125xi32, #tpu.memory_space<vmem>> -> memref<125xi32, #tpu.memory_space<vmem>>
        %dma_start3A_67 = arith.constant 0 : i32
        %dma_start3A_68 = arith.constant 0 : i32
        %dma_start3A_69 = tpu.memref_slice %arg11[%dma_start3A_67, %dma_start3A_68] : memref<10000x128xf32, #tpu.memory_space<vmem_shared>> -> memref<10000x128xf32, #tpu.memory_space<vmem_shared>>
        tpu.enqueue_indirect_dma source(%arg10 : memref<125x128xf32, #tpu.memory_space<vmem>>) target(%dma_start3A_69 : memref<10000x128xf32, #tpu.memory_space<vmem_shared>>) offsets(%dma_start3A_66 : memref<125xi32, #tpu.memory_space<vmem>>) semaphore(%run_scoped3A_63 : memref<!tpu.dma_semaphore, #tpu.memory_space<semaphore_mem>>) {add = true}
        %dma_wait3A_70 = arith.constant 0 : i32
        %dma_wait3A_71 = tpu.memref_slice %arg8[%add3A_62, %dma_wait3A_70] : memref<40x125xi32, #tpu.memory_space<vmem>> -> memref<1x125xi32, #tpu.memory_space<vmem>>
        %dma_wait3A_72 = tpu.memref_squeeze %dma_wait3A_71 : memref<1x125xi32, #tpu.memory_space<vmem>> -> memref<125xi32, #tpu.memory_space<vmem>>
        %dma_wait3A_73 = arith.constant 0 : i32
        %dma_wait3A_74 = arith.constant 0 : i32
        %dma_wait3A_75 = tpu.memref_slice %arg11[%dma_wait3A_73, %dma_wait3A_74] : memref<10000x128xf32, #tpu.memory_space<vmem_shared>> -> memref<10000x128xf32, #tpu.memory_space<vmem_shared>>
        tpu.wait_indirect_dma semaphore(%run_scoped3A_63 : memref<!tpu.dma_semaphore, #tpu.memory_space<semaphore_mem>>) src(%arg10 : memref<125x128xf32, #tpu.memory_space<vmem>>) dst(%dma_wait3A_75 : memref<10000x128xf32, #tpu.memory_space<vmem_shared>>)
        tpu.yield
      }) : () -> ()
    }
    %scan3A_13 = arith.constant 20 : i32
    %run_scoped3A_14 = arith.constant 1 : i32
    "tpu.region"() ({
      %run_scoped3A_35 = tpu.sem_alloc : memref<!tpu.dma_semaphore, #tpu.memory_space<semaphore_mem>>
      %dma_start3A_36 = arith.constant 0 : i32
      %dma_start3A_37 = arith.constant 0 : i32
      %dma_start3A_38 = tpu.memref_slice %arg2[%arg0, %arg1, %run_scoped3A_14, %dma_start3A_36, %dma_start3A_37] : memref<2x16x2x40x125xi32, #tpu.memory_space<hbm>> -> memref<1x1x1x40x125xi32, #tpu.memory_space<hbm>>
      %dma_start3A_39 = tpu.memref_squeeze %dma_start3A_38 : memref<1x1x1x40x125xi32, #tpu.memory_space<hbm>> -> memref<40x125xi32, #tpu.memory_space<hbm>>
      %dma_start3A_40 = arith.constant 0 : i32
      %dma_start3A_41 = arith.constant 0 : i32
      %dma_start3A_42 = tpu.memref_slice %arg2[%arg0, %arg1, %run_scoped3A_14, %dma_start3A_40, %dma_start3A_41] : memref<2x16x2x40x125xi32, #tpu.memory_space<hbm>> -> memref<1x1x1x40x125xi32, #tpu.memory_space<hbm>>
      %dma_start3A_43 = tpu.memref_squeeze %dma_start3A_42 : memref<1x1x1x40x125xi32, #tpu.memory_space<hbm>> -> memref<40x125xi32, #tpu.memory_space<hbm>>
      tpu.enqueue_dma source(%dma_start3A_43 : memref<40x125xi32, #tpu.memory_space<hbm>>) target(%arg7 : memref<40x125xi32, #tpu.memory_space<vmem>>) target_semaphore(%run_scoped3A_35 : memref<!tpu.dma_semaphore, #tpu.memory_space<semaphore_mem>>)
      %dma_wait3A = arith.constant 0 : i32
      %dma_wait3A_44 = arith.constant 0 : i32
      %dma_wait3A_45 = tpu.memref_slice %arg2[%arg0, %arg1, %run_scoped3A_14, %dma_wait3A, %dma_wait3A_44] : memref<2x16x2x40x125xi32, #tpu.memory_space<hbm>> -> memref<1x1x1x40x125xi32, #tpu.memory_space<hbm>>
      %dma_wait3A_46 = tpu.memref_squeeze %dma_wait3A_45 : memref<1x1x1x40x125xi32, #tpu.memory_space<hbm>> -> memref<40x125xi32, #tpu.memory_space<hbm>>
      %dma_wait3A_47 = arith.constant 0 : i32
      %dma_wait3A_48 = arith.constant 0 : i32
      %dma_wait3A_49 = tpu.memref_slice %arg2[%arg0, %arg1, %run_scoped3A_14, %dma_wait3A_47, %dma_wait3A_48] : memref<2x16x2x40x125xi32, #tpu.memory_space<hbm>> -> memref<1x1x1x40x125xi32, #tpu.memory_space<hbm>>
      %dma_wait3A_50 = tpu.memref_squeeze %dma_wait3A_49 : memref<1x1x1x40x125xi32, #tpu.memory_space<hbm>> -> memref<40x125xi32, #tpu.memory_space<hbm>>
      tpu.wait_dma2 semaphore(%run_scoped3A_35 : memref<!tpu.dma_semaphore, #tpu.memory_space<semaphore_mem>>) src(%dma_wait3A_50 : memref<40x125xi32, #tpu.memory_space<hbm>>) dst(%arg7 : memref<40x125xi32, #tpu.memory_space<vmem>>)
      tpu.yield
    }) : () -> ()
    %run_scoped3A_15 = arith.constant 1 : i32
    "tpu.region"() ({
      %run_scoped3A_35 = tpu.sem_alloc : memref<!tpu.dma_semaphore, #tpu.memory_space<semaphore_mem>>
      %dma_start3A_36 = arith.constant 0 : i32
      %dma_start3A_37 = arith.constant 0 : i32
      %dma_start3A_38 = tpu.memref_slice %arg3[%arg1, %run_scoped3A_15, %dma_start3A_36, %dma_start3A_37] : memref<16x2x40x125xi32, #tpu.memory_space<hbm>> -> memref<1x1x40x125xi32, #tpu.memory_space<hbm>>
      %dma_start3A_39 = tpu.memref_squeeze %dma_start3A_38 : memref<1x1x40x125xi32, #tpu.memory_space<hbm>> -> memref<40x125xi32, #tpu.memory_space<hbm>>
      %dma_start3A_40 = arith.constant 0 : i32
      %dma_start3A_41 = arith.constant 0 : i32
      %dma_start3A_42 = tpu.memref_slice %arg3[%arg1, %run_scoped3A_15, %dma_start3A_40, %dma_start3A_41] : memref<16x2x40x125xi32, #tpu.memory_space<hbm>> -> memref<1x1x40x125xi32, #tpu.memory_space<hbm>>
      %dma_start3A_43 = tpu.memref_squeeze %dma_start3A_42 : memref<1x1x40x125xi32, #tpu.memory_space<hbm>> -> memref<40x125xi32, #tpu.memory_space<hbm>>
      tpu.enqueue_dma source(%dma_start3A_43 : memref<40x125xi32, #tpu.memory_space<hbm>>) target(%arg8 : memref<40x125xi32, #tpu.memory_space<vmem>>) target_semaphore(%run_scoped3A_35 : memref<!tpu.dma_semaphore, #tpu.memory_space<semaphore_mem>>)
      %dma_wait3A = arith.constant 0 : i32
      %dma_wait3A_44 = arith.constant 0 : i32
      %dma_wait3A_45 = tpu.memref_slice %arg3[%arg1, %run_scoped3A_15, %dma_wait3A, %dma_wait3A_44] : memref<16x2x40x125xi32, #tpu.memory_space<hbm>> -> memref<1x1x40x125xi32, #tpu.memory_space<hbm>>
      %dma_wait3A_46 = tpu.memref_squeeze %dma_wait3A_45 : memref<1x1x40x125xi32, #tpu.memory_space<hbm>> -> memref<40x125xi32, #tpu.memory_space<hbm>>
      %dma_wait3A_47 = arith.constant 0 : i32
      %dma_wait3A_48 = arith.constant 0 : i32
      %dma_wait3A_49 = tpu.memref_slice %arg3[%arg1, %run_scoped3A_15, %dma_wait3A_47, %dma_wait3A_48] : memref<16x2x40x125xi32, #tpu.memory_space<hbm>> -> memref<1x1x40x125xi32, #tpu.memory_space<hbm>>
      %dma_wait3A_50 = tpu.memref_squeeze %dma_wait3A_49 : memref<1x1x40x125xi32, #tpu.memory_space<hbm>> -> memref<40x125xi32, #tpu.memory_space<hbm>>
      tpu.wait_dma2 semaphore(%run_scoped3A_35 : memref<!tpu.dma_semaphore, #tpu.memory_space<semaphore_mem>>) src(%dma_wait3A_50 : memref<40x125xi32, #tpu.memory_space<hbm>>) dst(%arg8 : memref<40x125xi32, #tpu.memory_space<vmem>>)
      tpu.yield
    }) : () -> ()
    %dma_start3A_16 = arith.constant 0 : i32
    %dma_start3A_17 = arith.constant 0 : i32
    %dma_start3A_18 = tpu.memref_slice %arg7[%dma_start3A_16, %dma_start3A_17] : memref<40x125xi32, #tpu.memory_space<vmem>> -> memref<1x125xi32, #tpu.memory_space<vmem>>
    %dma_start3A_19 = tpu.memref_squeeze %dma_start3A_18 : memref<1x125xi32, #tpu.memory_space<vmem>> -> memref<125xi32, #tpu.memory_space<vmem>>
    %dma_start3A_20 = arith.constant 0 : i32
    %dma_start3A_21 = arith.constant 0 : i32
    %dma_start3A_22 = tpu.memref_slice %arg4[%dma_start3A_20, %dma_start3A_21] : memref<20000x128xf32, #tpu.memory_space<hbm>> -> memref<20000x128xf32, #tpu.memory_space<hbm>>
    tpu.enqueue_indirect_dma source(%dma_start3A_22 : memref<20000x128xf32, #tpu.memory_space<hbm>>) target(%arg9 : memref<125x128xf32, #tpu.memory_space<vmem>>) offsets(%dma_start3A_19 : memref<125xi32, #tpu.memory_space<vmem>>) semaphore(%arg12 : memref<!tpu.dma_semaphore, #tpu.memory_space<semaphore_mem>>)
    %scan3A_23 = arith.constant 0 : i32
    %scan3A_24 = arith.constant 0 : i32
    %scan3A_25 = arith.constant 20 : i32
    %scan3A_26 = arith.addi %scan3A_24, %scan3A_25 : i32
    %scan3A_27 = arith.constant 1 : i32
    scf.for %scan3A_35 = %scan3A_24 to %scan3A_26 step %scan3A_27  : i32 {
      %mul3A = arith.constant 2 : i32
      %mul3A_36 = arith.muli %mul3A, %scan3A_35 : i32
      %dma_wait3A = arith.constant 0 : i32
      %dma_wait3A_37 = tpu.memref_slice %arg7[%mul3A_36, %dma_wait3A] : memref<40x125xi32, #tpu.memory_space<vmem>> -> memref<1x125xi32, #tpu.memory_space<vmem>>
      %dma_wait3A_38 = tpu.memref_squeeze %dma_wait3A_37 : memref<1x125xi32, #tpu.memory_space<vmem>> -> memref<125xi32, #tpu.memory_space<vmem>>
      %dma_wait3A_39 = arith.constant 0 : i32
      %dma_wait3A_40 = arith.constant 0 : i32
      %dma_wait3A_41 = tpu.memref_slice %arg4[%dma_wait3A_39, %dma_wait3A_40] : memref<20000x128xf32, #tpu.memory_space<hbm>> -> memref<20000x128xf32, #tpu.memory_space<hbm>>
      tpu.wait_indirect_dma semaphore(%arg12 : memref<!tpu.dma_semaphore, #tpu.memory_space<semaphore_mem>>) src(%dma_wait3A_41 : memref<20000x128xf32, #tpu.memory_space<hbm>>) dst(%arg9 : memref<125x128xf32, #tpu.memory_space<vmem>>)
      %add3A = arith.constant 1 : i32
      %add3A_42 = arith.addi %mul3A_36, %add3A : i32
      %dma_start3A_43 = arith.constant 0 : i32
      %dma_start3A_44 = tpu.memref_slice %arg7[%add3A_42, %dma_start3A_43] : memref<40x125xi32, #tpu.memory_space<vmem>> -> memref<1x125xi32, #tpu.memory_space<vmem>>
      %dma_start3A_45 = tpu.memref_squeeze %dma_start3A_44 : memref<1x125xi32, #tpu.memory_space<vmem>> -> memref<125xi32, #tpu.memory_space<vmem>>
      %dma_start3A_46 = arith.constant 0 : i32
      %dma_start3A_47 = arith.constant 0 : i32
      %dma_start3A_48 = tpu.memref_slice %arg4[%dma_start3A_46, %dma_start3A_47] : memref<20000x128xf32, #tpu.memory_space<hbm>> -> memref<20000x128xf32, #tpu.memory_space<hbm>>
      tpu.enqueue_indirect_dma source(%dma_start3A_48 : memref<20000x128xf32, #tpu.memory_space<hbm>>) target(%arg10 : memref<125x128xf32, #tpu.memory_space<vmem>>) offsets(%dma_start3A_45 : memref<125xi32, #tpu.memory_space<vmem>>) semaphore(%arg13 : memref<!tpu.dma_semaphore, #tpu.memory_space<semaphore_mem>>)
      "tpu.region"() ({
        %run_scoped3A_63 = tpu.sem_alloc : memref<!tpu.dma_semaphore, #tpu.memory_space<semaphore_mem>>
        %dma_start3A_64 = arith.constant 0 : i32
        %dma_start3A_65 = tpu.memref_slice %arg8[%mul3A_36, %dma_start3A_64] : memref<40x125xi32, #tpu.memory_space<vmem>> -> memref<1x125xi32, #tpu.memory_space<vmem>>
        %dma_start3A_66 = tpu.memref_squeeze %dma_start3A_65 : memref<1x125xi32, #tpu.memory_space<vmem>> -> memref<125xi32, #tpu.memory_space<vmem>>
        %dma_start3A_67 = arith.constant 0 : i32
        %dma_start3A_68 = arith.constant 0 : i32
        %dma_start3A_69 = tpu.memref_slice %arg11[%dma_start3A_67, %dma_start3A_68] : memref<10000x128xf32, #tpu.memory_space<vmem_shared>> -> memref<10000x128xf32, #tpu.memory_space<vmem_shared>>
        tpu.enqueue_indirect_dma source(%arg9 : memref<125x128xf32, #tpu.memory_space<vmem>>) target(%dma_start3A_69 : memref<10000x128xf32, #tpu.memory_space<vmem_shared>>) offsets(%dma_start3A_66 : memref<125xi32, #tpu.memory_space<vmem>>) semaphore(%run_scoped3A_63 : memref<!tpu.dma_semaphore, #tpu.memory_space<semaphore_mem>>) {add = true}
        %dma_wait3A_70 = arith.constant 0 : i32
        %dma_wait3A_71 = tpu.memref_slice %arg8[%mul3A_36, %dma_wait3A_70] : memref<40x125xi32, #tpu.memory_space<vmem>> -> memref<1x125xi32, #tpu.memory_space<vmem>>
        %dma_wait3A_72 = tpu.memref_squeeze %dma_wait3A_71 : memref<1x125xi32, #tpu.memory_space<vmem>> -> memref<125xi32, #tpu.memory_space<vmem>>
        %dma_wait3A_73 = arith.constant 0 : i32
        %dma_wait3A_74 = arith.constant 0 : i32
        %dma_wait3A_75 = tpu.memref_slice %arg11[%dma_wait3A_73, %dma_wait3A_74] : memref<10000x128xf32, #tpu.memory_space<vmem_shared>> -> memref<10000x128xf32, #tpu.memory_space<vmem_shared>>
        tpu.wait_indirect_dma semaphore(%run_scoped3A_63 : memref<!tpu.dma_semaphore, #tpu.memory_space<semaphore_mem>>) src(%arg9 : memref<125x128xf32, #tpu.memory_space<vmem>>) dst(%dma_wait3A_75 : memref<10000x128xf32, #tpu.memory_space<vmem_shared>>)
        tpu.yield
      }) : () -> ()
      %add3A_49 = arith.constant 1 : i32
      %add3A_50 = arith.addi %mul3A_36, %add3A_49 : i32
      %dma_wait3A_51 = arith.constant 0 : i32
      %dma_wait3A_52 = tpu.memref_slice %arg7[%add3A_50, %dma_wait3A_51] : memref<40x125xi32, #tpu.memory_space<vmem>> -> memref<1x125xi32, #tpu.memory_space<vmem>>
      %dma_wait3A_53 = tpu.memref_squeeze %dma_wait3A_52 : memref<1x125xi32, #tpu.memory_space<vmem>> -> memref<125xi32, #tpu.memory_space<vmem>>
      %dma_wait3A_54 = arith.constant 0 : i32
      %dma_wait3A_55 = arith.constant 0 : i32
      %dma_wait3A_56 = tpu.memref_slice %arg4[%dma_wait3A_54, %dma_wait3A_55] : memref<20000x128xf32, #tpu.memory_space<hbm>> -> memref<20000x128xf32, #tpu.memory_space<hbm>>
      tpu.wait_indirect_dma semaphore(%arg13 : memref<!tpu.dma_semaphore, #tpu.memory_space<semaphore_mem>>) src(%dma_wait3A_56 : memref<20000x128xf32, #tpu.memory_space<hbm>>) dst(%arg10 : memref<125x128xf32, #tpu.memory_space<vmem>>)
      %lt3A = arith.constant 19 : i32
      %lt3A_57 = arith.cmpi slt, %scan3A_35, %lt3A : i32
      %convert_element_type3A_58 = arith.extui %lt3A_57 : i1 to i32
      %cond3A_59 = arith.constant 0 : i32
      %cond3A_60 = arith.cmpi ne, %convert_element_type3A_58, %cond3A_59 : i32
      scf.if %cond3A_60 {
        %add3A_63 = arith.constant 2 : i32
        %add3A_64 = arith.addi %mul3A_36, %add3A_63 : i32
        %dma_start3A_65 = arith.constant 0 : i32
        %dma_start3A_66 = tpu.memref_slice %arg7[%add3A_64, %dma_start3A_65] : memref<40x125xi32, #tpu.memory_space<vmem>> -> memref<1x125xi32, #tpu.memory_space<vmem>>
        %dma_start3A_67 = tpu.memref_squeeze %dma_start3A_66 : memref<1x125xi32, #tpu.memory_space<vmem>> -> memref<125xi32, #tpu.memory_space<vmem>>
        %dma_start3A_68 = arith.constant 0 : i32
        %dma_start3A_69 = arith.constant 0 : i32
        %dma_start3A_70 = tpu.memref_slice %arg4[%dma_start3A_68, %dma_start3A_69] : memref<20000x128xf32, #tpu.memory_space<hbm>> -> memref<20000x128xf32, #tpu.memory_space<hbm>>
        tpu.enqueue_indirect_dma source(%dma_start3A_70 : memref<20000x128xf32, #tpu.memory_space<hbm>>) target(%arg9 : memref<125x128xf32, #tpu.memory_space<vmem>>) offsets(%dma_start3A_67 : memref<125xi32, #tpu.memory_space<vmem>>) semaphore(%arg12 : memref<!tpu.dma_semaphore, #tpu.memory_space<semaphore_mem>>)
      } else {
      }
      %add3A_61 = arith.constant 1 : i32
      %add3A_62 = arith.addi %mul3A_36, %add3A_61 : i32
      "tpu.region"() ({
        %run_scoped3A_63 = tpu.sem_alloc : memref<!tpu.dma_semaphore, #tpu.memory_space<semaphore_mem>>
        %dma_start3A_64 = arith.constant 0 : i32
        %dma_start3A_65 = tpu.memref_slice %arg8[%add3A_62, %dma_start3A_64] : memref<40x125xi32, #tpu.memory_space<vmem>> -> memref<1x125xi32, #tpu.memory_space<vmem>>
        %dma_start3A_66 = tpu.memref_squeeze %dma_start3A_65 : memref<1x125xi32, #tpu.memory_space<vmem>> -> memref<125xi32, #tpu.memory_space<vmem>>
        %dma_start3A_67 = arith.constant 0 : i32
        %dma_start3A_68 = arith.constant 0 : i32
        %dma_start3A_69 = tpu.memref_slice %arg11[%dma_start3A_67, %dma_start3A_68] : memref<10000x128xf32, #tpu.memory_space<vmem_shared>> -> memref<10000x128xf32, #tpu.memory_space<vmem_shared>>
        tpu.enqueue_indirect_dma source(%arg10 : memref<125x128xf32, #tpu.memory_space<vmem>>) target(%dma_start3A_69 : memref<10000x128xf32, #tpu.memory_space<vmem_shared>>) offsets(%dma_start3A_66 : memref<125xi32, #tpu.memory_space<vmem>>) semaphore(%run_scoped3A_63 : memref<!tpu.dma_semaphore, #tpu.memory_space<semaphore_mem>>) {add = true}
        %dma_wait3A_70 = arith.constant 0 : i32
        %dma_wait3A_71 = tpu.memref_slice %arg8[%add3A_62, %dma_wait3A_70] : memref<40x125xi32, #tpu.memory_space<vmem>> -> memref<1x125xi32, #tpu.memory_space<vmem>>
        %dma_wait3A_72 = tpu.memref_squeeze %dma_wait3A_71 : memref<1x125xi32, #tpu.memory_space<vmem>> -> memref<125xi32, #tpu.memory_space<vmem>>
        %dma_wait3A_73 = arith.constant 0 : i32
        %dma_wait3A_74 = arith.constant 0 : i32
        %dma_wait3A_75 = tpu.memref_slice %arg11[%dma_wait3A_73, %dma_wait3A_74] : memref<10000x128xf32, #tpu.memory_space<vmem_shared>> -> memref<10000x128xf32, #tpu.memory_space<vmem_shared>>
        tpu.wait_indirect_dma semaphore(%run_scoped3A_63 : memref<!tpu.dma_semaphore, #tpu.memory_space<semaphore_mem>>) src(%arg10 : memref<125x128xf32, #tpu.memory_space<vmem>>) dst(%dma_wait3A_75 : memref<10000x128xf32, #tpu.memory_space<vmem_shared>>)
        tpu.yield
      }) : () -> ()
    }
    %scan3A_28 = arith.constant 20 : i32
    %barrier3A_29 = arith.constant 0 : index
    tpu.barrier barrier_id(%barrier3A_29)
    %eq3A_30 = arith.constant 0 : i32
    %eq3A_31 = arith.cmpi eq, %arg1, %eq3A_30 : i32
    %convert_element_type3A_32 = arith.extui %eq3A_31 : i1 to i32
    %cond3A_33 = arith.constant 0 : i32
    %cond3A_34 = arith.cmpi ne, %convert_element_type3A_32, %cond3A_33 : i32
    scf.if %cond3A_34 {
      "tpu.region"() ({
        %run_scoped3A_35 = tpu.sem_alloc : memref<!tpu.dma_semaphore, #tpu.memory_space<semaphore_mem>>
        %dma_start3A_36 = arith.constant 0 : i32
        %dma_start3A_37 = arith.constant 0 : i32
        %dma_start3A_38 = tpu.memref_slice %arg6[%arg0, %dma_start3A_36, %dma_start3A_37] : memref<2x10000x128xf32, #tpu.memory_space<hbm>> -> memref<1x10000x128xf32, #tpu.memory_space<hbm>>
        %dma_start3A_39 = tpu.memref_squeeze %dma_start3A_38 : memref<1x10000x128xf32, #tpu.memory_space<hbm>> -> memref<10000x128xf32, #tpu.memory_space<hbm>>
        tpu.enqueue_dma source(%arg11 : memref<10000x128xf32, #tpu.memory_space<vmem_shared>>) target(%dma_start3A_39 : memref<10000x128xf32, #tpu.memory_space<hbm>>) target_semaphore(%run_scoped3A_35 : memref<!tpu.dma_semaphore, #tpu.memory_space<semaphore_mem>>)
        %dma_wait3A = arith.constant 0 : i32
        %dma_wait3A_40 = arith.constant 0 : i32
        %dma_wait3A_41 = tpu.memref_slice %arg6[%arg0, %dma_wait3A, %dma_wait3A_40] : memref<2x10000x128xf32, #tpu.memory_space<hbm>> -> memref<1x10000x128xf32, #tpu.memory_space<hbm>>
        %dma_wait3A_42 = tpu.memref_squeeze %dma_wait3A_41 : memref<1x10000x128xf32, #tpu.memory_space<hbm>> -> memref<10000x128xf32, #tpu.memory_space<hbm>>
        tpu.wait_dma2 semaphore(%run_scoped3A_35 : memref<!tpu.dma_semaphore, #tpu.memory_space<semaphore_mem>>) src(%arg11 : memref<10000x128xf32, #tpu.memory_space<vmem_shared>>) dst(%dma_wait3A_42 : memref<10000x128xf32, #tpu.memory_space<hbm>>)
        tpu.yield
      }) : () -> ()
    } else {
    }
    return
  }
}

module attributes {stable_mosaic.version = 14 : i64} {
  func.func @_mm_body(%arg0: i32, %arg1: memref<1000x256xf32, #tpu.memory_space<vmem>>, %arg2: memref<256x256xf32, #tpu.memory_space<vmem>>, %arg3: memref<1000x16xf32, #tpu.memory_space<vmem>>, %arg4: memref<2x1000x128xf32, #tpu.memory_space<vmem>>) attributes {dimension_semantics = [#tpu.dimension_semantics<arbitrary>], iteration_bounds = array<i64: 10>, scalar_prefetch = 0 : i64, scratch_operands = 0 : i64, tpu.core_type = #tpu.core_type<tc>, window_params = [{transform_indices = @transform_0, window_bounds = array<i64: 1000, 256>}, {pipeline_mode = #tpu.pipeline_mode<synchronous>, transform_indices = @transform_1, window_bounds = array<i64: 256, 256>}, {transform_indices = @transform_2, window_bounds = array<i64: 1000, 16>}, {transform_indices = @transform_3, window_bounds = array<i64: 2, 1000, 128>}]} {
    %get3A = arith.constant 0 : index
    %get3A_0 = arith.constant 0 : index
    %get3A_1 = vector.load %arg3[%get3A, %get3A_0] : memref<1000x16xf32, #tpu.memory_space<vmem>>, vector<1000x16xf32>
    %reduce_sum3A = arith.constant dense<0.000000e+00> : vector<1000xf32>
    %reduce_sum3A_2 = vector.multi_reduction <add>, %get3A_1, %reduce_sum3A [1] : vector<1000x16xf32> to vector<1000xf32>
    %broadcast_in_dim3A = vector.shape_cast %reduce_sum3A_2 : vector<1000xf32> to vector<1000x1xf32>
    %add3A = arith.constant 1.000000e+00 : f32
    %add3A_3 = vector.broadcast %add3A : f32 to vector<1000x1xf32>
    %add3A_4 = arith.addf %add3A_3, %broadcast_in_dim3A : vector<1000x1xf32>
    %rsqrt3A = math.rsqrt %add3A_4 : vector<1000x1xf32>
    %get3A_5 = arith.constant 0 : index
    %get3A_6 = arith.constant 0 : index
    %get3A_7 = vector.load %arg1[%get3A_5, %get3A_6] : memref<1000x256xf32, #tpu.memory_space<vmem>>, vector<1000x256xf32>
    %get3A_8 = arith.constant 0 : index
    %get3A_9 = arith.constant 0 : index
    %get3A_10 = vector.load %arg2[%get3A_8, %get3A_9] : memref<256x256xf32, #tpu.memory_space<vmem>>, vector<256x256xf32>
    %dot_general3A = arith.constant dense<0.000000e+00> : vector<1000x256xf32>
    %dot_general3A_11 = tpu.matmul %get3A_7, %get3A_10, %dot_general3A {dimension_numbers = #tpu.dot_dimension_numbers<[1], [0], [0], [1], [0, 0, 1, 1], [], []>, transpose_lhs_hint = false} : vector<1000x256xf32>, vector<256x256xf32>, vector<1000x256xf32> -> vector<1000x256xf32>
    %mul3A = vector.broadcast %rsqrt3A : vector<1000x1xf32> to vector<1000x256xf32>
    %mul3A_12 = arith.mulf %dot_general3A_11, %mul3A : vector<1000x256xf32>
    %slice3A = vector.extract_strided_slice %mul3A_12 {offsets = [0, 0], sizes = [1000, 128], strides = [1, 1]} : vector<1000x256xf32> to vector<1000x128xf32>
    %swap3A = arith.constant 0 : index
    %swap3A_13 = arith.constant 0 : index
    %swap3A_14 = arith.constant 0 : index
    %swap3A_15 = vector.load %arg4[%swap3A, %swap3A_13, %swap3A_14] : memref<2x1000x128xf32, #tpu.memory_space<vmem>>, vector<1x1000x128xf32>
    %swap3A_16 = vector.shape_cast %swap3A_15 : vector<1x1000x128xf32> to vector<1000x128xf32>
    %swap3A_17 = vector.shape_cast %slice3A : vector<1000x128xf32> to vector<1x1000x128xf32>
    tpu.vector_store %arg4[%swap3A, %swap3A_13, %swap3A_14], %swap3A_17 {strides = array<i32>} : memref<2x1000x128xf32, #tpu.memory_space<vmem>>, vector<1x1000x128xf32>,
    %slice3A_18 = vector.extract_strided_slice %mul3A_12 {offsets = [0, 128], sizes = [1000, 128], strides = [1, 1]} : vector<1000x256xf32> to vector<1000x128xf32>
    %swap3A_19 = arith.constant 1 : index
    %swap3A_20 = arith.constant 0 : index
    %swap3A_21 = arith.constant 0 : index
    %swap3A_22 = vector.load %arg4[%swap3A_19, %swap3A_20, %swap3A_21] : memref<2x1000x128xf32, #tpu.memory_space<vmem>>, vector<1x1000x128xf32>
    %swap3A_23 = vector.shape_cast %swap3A_22 : vector<1x1000x128xf32> to vector<1000x128xf32>
    %swap3A_24 = vector.shape_cast %slice3A_18 : vector<1000x128xf32> to vector<1x1000x128xf32>
    tpu.vector_store %arg4[%swap3A_19, %swap3A_20, %swap3A_21], %swap3A_24 {strides = array<i32>} : memref<2x1000x128xf32, #tpu.memory_space<vmem>>, vector<1x1000x128xf32>,
    return
  }
  func.func @transform_0(%arg0: i32) -> (i32, i32) {
    %c0_i32 = arith.constant 0 : i32
    %c0_i32_0 = arith.constant 0 : i32
    return %arg0, %c0_i32 : i32, i32
  }
  func.func @transform_1(%arg0: i32) -> (i32, i32) {
    %c0_i32 = arith.constant 0 : i32
    %c0_i32_0 = arith.constant 0 : i32
    %c0_i32_1 = arith.constant 0 : i32
    return %c0_i32, %c0_i32_0 : i32, i32
  }
  func.func @transform_2(%arg0: i32) -> (i32, i32) {
    %c0_i32 = arith.constant 0 : i32
    %c0_i32_0 = arith.constant 0 : i32
    return %arg0, %c0_i32 : i32, i32
  }
  func.func @transform_3(%arg0: i32) -> (i32, i32, i32) {
    %c0_i32 = arith.constant 0 : i32
    %c0_i32_0 = arith.constant 0 : i32
    %c0_i32_1 = arith.constant 0 : i32
    return %c0_i32, %arg0, %c0_i32_0 : i32, i32, i32
  }
}

module attributes {stable_mosaic.version = 14 : i64} {
  func.func @_ep_body(%arg0: i32, %arg1: memref<2x1000x128xf32, #tpu.memory_space<vmem>>, %arg2: memref<2x1000x128xf32, #tpu.memory_space<vmem>>, %arg3: memref<1000x16xf32, #tpu.memory_space<vmem>>, %arg4: memref<8x256xf32, #tpu.memory_space<vmem>>, %arg5: memref<1000x256xf32, #tpu.memory_space<vmem>>) attributes {dimension_semantics = [#tpu.dimension_semantics<arbitrary>], iteration_bounds = array<i64: 10>, scalar_prefetch = 0 : i64, scratch_operands = 0 : i64, tpu.core_type = #tpu.core_type<tc>, window_params = [{transform_indices = @transform_0, window_bounds = array<i64: 2, 1000, 128>}, {transform_indices = @transform_1, window_bounds = array<i64: 2, 1000, 128>}, {transform_indices = @transform_2, window_bounds = array<i64: 1000, 16>}, {pipeline_mode = #tpu.pipeline_mode<synchronous>, transform_indices = @transform_3, window_bounds = array<i64: 8, 256>}, {transform_indices = @transform_4, window_bounds = array<i64: 1000, 256>}]} {
    %get3A = arith.constant 0 : index
    %get3A_0 = arith.constant 0 : index
    %get3A_1 = vector.load %arg3[%get3A, %get3A_0] : memref<1000x16xf32, #tpu.memory_space<vmem>>, vector<1000x16xf32>
    %reduce_sum3A = arith.constant dense<0.000000e+00> : vector<1000xf32>
    %reduce_sum3A_2 = vector.multi_reduction <add>, %get3A_1, %reduce_sum3A [1] : vector<1000x16xf32> to vector<1000xf32>
    %broadcast_in_dim3A = vector.shape_cast %reduce_sum3A_2 : vector<1000xf32> to vector<1000x1xf32>
    %add3A = arith.constant 1.000000e+00 : f32
    %add3A_3 = vector.broadcast %add3A : f32 to vector<1000x1xf32>
    %add3A_4 = arith.addf %add3A_3, %broadcast_in_dim3A : vector<1000x1xf32>
    %rsqrt3A = math.rsqrt %add3A_4 : vector<1000x1xf32>
    %get3A_5 = arith.constant 0 : index
    %get3A_6 = arith.constant 0 : index
    %get3A_7 = arith.constant 0 : index
    %get3A_8 = vector.load %arg1[%get3A_5, %get3A_6, %get3A_7] : memref<2x1000x128xf32, #tpu.memory_space<vmem>>, vector<1x1000x128xf32>
    %get3A_9 = vector.shape_cast %get3A_8 : vector<1x1000x128xf32> to vector<1000x128xf32>
    %get3A_10 = arith.constant 1 : index
    %get3A_11 = arith.constant 0 : index
    %get3A_12 = arith.constant 0 : index
    %get3A_13 = vector.load %arg1[%get3A_10, %get3A_11, %get3A_12] : memref<2x1000x128xf32, #tpu.memory_space<vmem>>, vector<1x1000x128xf32>
    %get3A_14 = vector.shape_cast %get3A_13 : vector<1x1000x128xf32> to vector<1000x128xf32>
    %concatenate3A = tpu.concatenate %get3A_9, %get3A_14 in 1 : vector<1000x128xf32>, vector<1000x128xf32> -> vector<1000x256xf32>
    %get3A_15 = arith.constant 0 : index
    %get3A_16 = arith.constant 0 : index
    %get3A_17 = arith.constant 0 : index
    %get3A_18 = vector.load %arg2[%get3A_15, %get3A_16, %get3A_17] : memref<2x1000x128xf32, #tpu.memory_space<vmem>>, vector<1x1000x128xf32>
    %get3A_19 = vector.shape_cast %get3A_18 : vector<1x1000x128xf32> to vector<1000x128xf32>
    %get3A_20 = arith.constant 1 : index
    %get3A_21 = arith.constant 0 : index
    %get3A_22 = arith.constant 0 : index
    %get3A_23 = vector.load %arg2[%get3A_20, %get3A_21, %get3A_22] : memref<2x1000x128xf32, #tpu.memory_space<vmem>>, vector<1x1000x128xf32>
    %get3A_24 = vector.shape_cast %get3A_23 : vector<1x1000x128xf32> to vector<1000x128xf32>
    %concatenate3A_25 = tpu.concatenate %get3A_19, %get3A_24 in 1 : vector<1000x128xf32>, vector<1000x128xf32> -> vector<1000x256xf32>
    %add3A_26 = arith.addf %concatenate3A, %concatenate3A_25 : vector<1000x256xf32>
    %mul3A = vector.broadcast %rsqrt3A : vector<1000x1xf32> to vector<1000x256xf32>
    %mul3A_27 = arith.mulf %mul3A, %add3A_26 : vector<1000x256xf32>
    %get3A_28 = arith.constant 0 : index
    %get3A_29 = arith.constant 0 : index
    %get3A_30 = vector.load %arg4[%get3A_28, %get3A_29] : memref<8x256xf32, #tpu.memory_space<vmem>>, vector<1x256xf32>
    %add3A_31 = vector.broadcast %get3A_30 : vector<1x256xf32> to vector<1000x256xf32>
    %add3A_32 = arith.addf %mul3A_27, %add3A_31 : vector<1000x256xf32>
    %max3A = arith.constant 0.000000e+00 : f32
    %max3A_33 = vector.broadcast %max3A : f32 to vector<1000x256xf32>
    %max3A_34 = arith.maximumf %add3A_32, %max3A_33 : vector<1000x256xf32>
    %swap3A = arith.constant 0 : index
    %swap3A_35 = arith.constant 0 : index
    %swap3A_36 = vector.load %arg5[%swap3A, %swap3A_35] : memref<1000x256xf32, #tpu.memory_space<vmem>>, vector<1000x256xf32>
    tpu.vector_store %arg5[%swap3A, %swap3A_35], %max3A_34 {strides = array<i32>} : memref<1000x256xf32, #tpu.memory_space<vmem>>, vector<1000x256xf32>,
    return
  }
  func.func @transform_0(%arg0: i32) -> (i32, i32, i32) {
    %c0_i32 = arith.constant 0 : i32
    %c0_i32_0 = arith.constant 0 : i32
    %c0_i32_1 = arith.constant 0 : i32
    return %c0_i32, %arg0, %c0_i32_0 : i32, i32, i32
  }
  func.func @transform_1(%arg0: i32) -> (i32, i32, i32) {
    %c0_i32 = arith.constant 0 : i32
    %c0_i32_0 = arith.constant 0 : i32
    %c0_i32_1 = arith.constant 0 : i32
    return %c0_i32, %arg0, %c0_i32_0 : i32, i32, i32
  }
  func.func @transform_2(%arg0: i32) -> (i32, i32) {
    %c0_i32 = arith.constant 0 : i32
    %c0_i32_0 = arith.constant 0 : i32
    return %arg0, %c0_i32 : i32, i32
  }
  func.func @transform_3(%arg0: i32) -> (i32, i32) {
    %c0_i32 = arith.constant 0 : i32
    %c0_i32_0 = arith.constant 0 : i32
    %c0_i32_1 = arith.constant 0 : i32
    return %c0_i32, %c0_i32_0 : i32, i32
  }
  func.func @transform_4(%arg0: i32) -> (i32, i32) {
    %c0_i32 = arith.constant 0 : i32
    %c0_i32_0 = arith.constant 0 : i32
    return %arg0, %c0_i32 : i32, i32
  }
}

</mosaic_0001>

<sc_bundles>
// kernel: kernel.6.cloned.1.call-start
scs
__scs_entry_jumppad:
0x0: {  	(pc) =	sbr.rel $0x88, $3  }
0x1: {  	(tag) =	ssettag $0x0;
	lr =	simm.s32 $0x1  }
0x2: {  	[smem:$0x3F9D] =	sst lr;
	_ =	strace $0xD0000000  }
0x3: {  	_ = 	snop  }
0x4: {  	_ = 	snop  }
0x5: {  	_ = 	snop  }
0x6: {  	_ = 	snop  }
0x7: {  	_ = 	snop  }
__scs_overlays_trampoline_lowered:
0x8: {  	[smem:$0x3FAC] =	sst s0  }
0x9: {  	[smem:$0x3FAD] =	sst s1  }
0xa: {  	[smem:$0x3FAE] =	sst s2  }
0xb: {  	[smem:$0x3FAF] =	sst s3  }
0xc: {  	[smem:$0x3FB0] =	sst s4  }
0xd: {  	[smem:$0x3FB1] =	sst s5  }
0xe: {  	[smem:$0x3FB2] =	sst s6  }
0xf: {  	[smem:$0x3FB3] =	sst s7  }
0x10: {  	[smem:$0x3FB4] =	sst s8  }
0x11: {  	[smem:$0x3FB5] =	sst s9;
	s0 =	simm.s32 @!p0 $0x0  }
0x12: {  	s1 =	sld [smem:$0x3F9B];
	s0 =	simm.s32 @p0 $0x1  }
0x13: {  	[smem:$0x3FB6] =	sst s0;
	s0 =	simm.s32 @!p1 $0x0  }
0x14: {  	s2 =	sld [smem:$0x3F9A];
	s0 =	simm.s32 @p1 $0x1  }
0x15: {  	[smem:$0x3FB7] =	sst s0;
	s0 =	simm.s32 @!p2 $0x0  }
0x16: {  	s3 =	sld [smem:$0x3FDB];
	s0 =	simm.s32 @p2 $0x1  }
0x17: {  	s4 =	simm.s32 $0x1BF5;
	[smem:$0x3FB9] =	sst s0  }
0x18: {  	s0 =	sld [smem:$0x3F9C];
	_ =	swait.ge [sflag:s4], $0x0  }
0x19: {  	s7 =	sld [smem:$0x3F9D]  }
0x1a: {  	s8 =	sadd.s32 $0xFFFFE003, lr  }
0x1b: {  	s9 =	sadd.s32 $0xFFFFFEF7, lr;
	s5 =	simm.s32 $0xFFFFFFFF;
	p2 =	slt.u32 s8, $0xFFFFF086  }
0x1c: {  	p1 =	slt.u32 s9, $0xF7A;
	s5 =	simm.s32 @!p2 $0x0  }
0x1d: {  	s5 =	simm.s32 @p1 $0x1;
	p0 =	seq.s32 s7, s2  }
0x1e: {  	s7 =	smul.u32 @!p0 $0xF7A, s2;
	p2 =	seq.s32 @!p0 s5, $0x0  }
0x1f: {  	s9 =	smul.u32 $0xF7A, s1;
	s8 =	simm.s32 @!p0 $0x1BF5;
	p2 =	por !p2, p0  }
0x20: {  	[sflag:s8] =	ssyncset.s32 @!p0 $0xFFFFF086;
	s6 =	sadd.s32 @!p0 s3, s7;
	s7 =	simm.s32 @!p0 $0x108  }
0x21: {  	s3 =	sadd.s32 s3, s9;
	s6 =	sadd.s32 @!p0 $0x88, s6;
	s7 =	simm.s32 @p2 $0x1082  }
0x22: {  	[simem:s7], [sflag:s8] =	dma.local @!p0 [hbm:s6], $0xF7A  }
0x23: {  	s9 =	sor.u32 $0xD0000000, s2;
	s6 =	simm.s32 $0x108;
	_ =	swait.ge @!p0 [sflag:s8], $0x0  }
0x24: {  	s3 =	sadd.s32 $0x88, s3;
	s6 =	simm.s32 @!p1 $0x1082;
	[sflag:s4] =	ssyncset.s32 $0xFFFFF086  }
0x25: {  	[simem:s6], [sflag:s4] =	dma.local [hbm:s3], $0xF7A  }
0x26: {  	[smem:$0x3F9D] =	sst s1;
	(tag) =	ssettag s2;
	_ =	strace s9  }
0x27: {  	s1 =	sld [smem:$0x3FAD]  }
0x28: {  	s2 =	sld [smem:$0x3FAE]  }
0x29: {  	s4 =	sld [smem:$0x3FB0]  }
0x2a: {  	p0 =	seq.s32 s5, $0x0;
	s5 =	sld [smem:$0x3FB1]  }
0x2b: {  	s6 =	sld [smem:$0x3FB2]  }
0x2c: {  	s7 =	sld [smem:$0x3FB3]  }
0x2d: {  	s3 =	simm.s32 $0x108;
	s8 =	sld [smem:$0x3FB4]  }
0x2e: {  	s3 =	simm.s32 @!p0 $0x1082;
	s9 =	sld [smem:$0x3FB5]  }
0x2f: {  	lr =	sadd.s32 s0, s3;
	s0 =	sld [smem:$0x3FAC]  }
0x30: {  	s3 =	sld [smem:$0x3FAF]  }
0x31: {  	[smem:$0x3FB8] =	sst s10  }
0x32: {  	s10 =	sld [smem:$0x3FB6];
	_ =	sdelay $0x3  }
0x33: {  	p0 =	seq.s32 s10, $0x1;
	s10 =	sld [smem:$0x3FB8];
	_ =	sdelay $0x3  }
0x34: {  	[smem:$0x3FB8] =	sst s10  }
0x35: {  	s10 =	sld [smem:$0x3FB7];
	_ =	sdelay $0x3  }
0x36: {  	p1 =	seq.s32 s10, $0x1;
	s10 =	sld [smem:$0x3FB8];
	_ =	sdelay $0x3  }
0x37: {  	[smem:$0x3FB8] =	sst s10  }
0x38: {  	s10 =	sld [smem:$0x3FB9]  }
0x39: {  	_ = 	snop;
	(pc) =	sbr.ind lr, $3  }
0x3a: {  	_ = 	snop  }
0x3b: {  	_ = 	snop  }
0x3c: {  	p2 =	seq.s32 s10, $0x1;
	s10 =	sld [smem:$0x3FB8]  }
0x3d: {  	_ =	shalt  }
0x3e: {  	_ =	shalt  }
0x3f: {  	_ =	shalt  }
0x40: {  	_ =	shalt  }
0x41: {  	_ =	shalt  }
0x42: {  	_ =	shalt  }
0x43: {  	_ =	shalt  }
0x44: {  	_ =	shalt  }
0x45: {  	_ =	shalt  }
0x46: {  	_ =	shalt  }
0x47: {  	_ =	shalt  }
0x48: {  	_ =	shalt  }
0x49: {  	_ =	shalt  }
0x4a: {  	_ =	shalt  }
0x4b: {  	_ =	shalt  }
0x4c: {  	_ =	shalt  }
0x4d: {  	_ =	shalt  }
0x4e: {  	_ =	shalt  }
0x4f: {  	_ =	shalt  }
0x50: {  	_ =	shalt  }
0x51: {  	_ =	shalt  }
0x52: {  	_ =	shalt  }
0x53: {  	_ =	shalt  }
0x54: {  	_ =	shalt  }
0x55: {  	_ =	shalt  }
0x56: {  	_ =	shalt  }
0x57: {  	_ =	shalt  }
0x58: {  	_ =	shalt  }
0x59: {  	_ =	shalt  }
0x5a: {  	_ =	shalt  }
0x5b: {  	_ =	shalt  }
0x5c: {  	_ =	shalt  }
0x5d: {  	_ =	shalt  }
0x5e: {  	_ =	shalt  }
0x5f: {  	_ =	shalt  }
0x60: {  	_ =	shalt  }
0x61: {  	_ =	shalt  }
0x62: {  	_ =	shalt  }
0x63: {  	_ =	shalt  }
0x64: {  	_ =	shalt  }
0x65: {  	_ =	shalt  }
0x66: {  	_ =	shalt  }
0x67: {  	_ =	shalt  }
0x68: {  	_ =	shalt  }
0x69: {  	_ =	shalt  }
0x6a: {  	_ =	shalt  }
0x6b: {  	_ =	shalt  }
0x6c: {  	_ =	shalt  }
0x6d: {  	_ =	shalt  }
0x6e: {  	_ =	shalt  }
0x6f: {  	_ =	shalt  }
0x70: {  	_ =	shalt  }
0x71: {  	_ =	shalt  }
0x72: {  	_ =	shalt  }
0x73: {  	_ =	shalt  }
0x74: {  	_ =	shalt  }
0x75: {  	_ =	shalt  }
0x76: {  	_ =	shalt  }
0x77: {  	_ =	shalt  }
0x78: {  	_ =	shalt  }
0x79: {  	_ =	shalt  }
0x7a: {  	_ =	shalt  }
0x7b: {  	_ =	shalt  }
0x7c: {  	_ =	shalt  }
0x7d: {  	_ =	shalt  }
0x7e: {  	_ =	shalt  }
0x7f: {  	_ =	shalt  }
0x80: {  	_ =	shalt  }
0x81: {  	_ =	shalt  }
0x82: {  	_ =	shalt  }
0x83: {  	_ =	shalt  }
0x84: {  	_ =	shalt  }
0x85: {  	_ =	shalt  }
0x86: {  	_ =	shalt  }
0x87: {  	_ =	shalt  }
.Lfunc_end0:
.L_simem_size_0:
called_computation_lowered:
.L_overlay_start_0:
0x88: {  	s2 =	sld [smem:$0x3FD9]  }
0x89: {  	s3 =	sld [smem:$0x3FFE];
	_ =	sdelay $0x1  }
0x8a: {  	s1 =	srdreg.scid  }
0x8b: {  	s0 =	sand.u32 $0x1, s1  }
0x8c: {  	s17 =	sshll.u32 s0, $0xA;
	s2 =	sadd.s32 s3, s2  }
0x8d: {  	s2 =	sadd.s32 s2, s17  }
0x8e: {  	[smem:$0x3FC4] =	sst s2  }
0x8f: {  	_ = 	snop  }
0x90: {  	s2 =	sld [smem:$0x3FD0];
	(tm) =	ssettm $0x1  }
0x91: {  	s18 =	sld [smem:$0x3FFB];
	_ =	sdelay $0x3  }
0x92: {  	_ =	strace s18  }
0x93: {  	s3 =	sld [smem:$0x3FFC];
	_ =	sdelay $0x3  }
0x94: {  	_ =	strace s3  }
0x95: {  	s3 =	sld [smem:$0x3FFD];
	_ =	sdelay $0x3  }
0x96: {  	_ =	strace s3  }
0x97: {  	_ =	strace $0x8FFFFFFF  }
0x98: {  	s19 =	sld [smem:$0x3FDB];
	_ =	sdelay $0x1  }
0x99: {  	s4 =	simm.s32 $_scs_section_size  }
0x9a: {  	s5 =	simm.s32 $_size__tile_overlayer_lowered;
	s6 =	simm.s32 $_tile_overlayer_lowered  }
0x9b: {  	s22 =	simm.s32 $0x1BFF;
	s21 =	sshll.u32 s6, $0x1;
	s3 =	sadd.s32 s4, s19  }
0x9c: {  	s7 =	simm.s32 $0x0;
	s20 =	sshll.u32 s5, $0x1;
	s5 =	sadd.s32 s21, s3  }
0x9d: {  	[timem:s7], [sflag:s22] =	dma.local [hbm:s5], s20  }
0x9e: {  	_ =	swait.ge [sflag:s22], s20  }
0x9f: {  	s4 =	ssub.s32 $0x0, s20;
	[sflag:s22] =	ssyncset.done $0x0  }
0xa0: {  	[sflag:s22] =	ssyncadd.s32 s4;
	_ =	sdelay $0x1  }
0xa1: {  	s23 =	simm.s32 $0x1B8B  }
0xa2: {  	_ =	swait.ge [sflag:s23], $0x1  }
0xa3: {  	[sflag:s23] =	ssyncset.done $0x0  }
0xa4: {  	s25 =	simm.s32 $0x1B8E;
	s24 =	sld [smem:$0x3FFE];
	[sflag:s23] =	ssyncadd.s32 $0xFFFFFFFF  }
0xa5: {  	s26 =	simm.s32 $execute0_lowered;
	[smem:$0x3FD2] =	sst s25  }
0xa6: {  	s5 =	sshll.u32 s26, $0x1;
	_ =	strace $0x80000046;
	[dreg:$0x1] =	wrdreg $0xFFFFFFFF  }
0xa7: {  	s28 =	simm.s32 $_size_execute0_lowered;
	s3 =	sadd.s32 s3, s5;
	[dreg:$0x0] =	wrdreg $0x0  }
0xa8: {  	s5 =	sshll.u32 s28, $0x1;
	[dreg:$0x2] =	wrdreg s3  }
0xa9: {  	[dreg:$0x3] =	wrdreg s5  }
0xaa: {  	[dreg:$0x4] =	wrdreg $0xC0  }
0xab: {  	_ =	task [dreg:s7], $0x5FFFF  }
0xac: {  	[dreg:$0x1] =	wrdreg $0xFFFFFFFF  }
0xad: {  	[dreg:$0x0] =	wrdreg $0x60  }
0xae: {  	[dreg:$0x2] =	wrdreg s2  }
0xaf: {  	[dreg:$0x3] =	wrdreg s24  }
0xb0: {  	[dreg:$0x4] =	wrdreg $0x9  }
0xb1: {  	_ =	task.clear_ibuf [dreg:s7], $0x5FFFF;
	_ =	strace $0x90000046  }
0xb2: {  	s29 =	simm.s32 $0x9;
	_ =	strace $0x80000048  }
0xb3: {  	_ =	swait.ge [sflag:s29], $0x1  }
0xb4: {  	[sflag:s29] =	ssyncadd.s32 $0xFFFFFFFF  }
0xb5: {  	_ =	strace $0x90000048  }
0xb6: {  	_ =	sfence  }
0xb7: {  	s30 =	sld [smem:$0x0];
	_ =	sdelay $0x2  }
0xb8: {  	s31 =	sshll.u32 s1, $0xD;
	s1 =	sshrl.u32 s1, $0x2  }
0xb9: {  	s3 =	sand.u32 $0x4000, s31;
	s1 =	sadd.s32 s1, s30  }
0xba: {  	s0 =	sor.u32 s3, s0;
	s1 =	sshll.u32 s1, $0x11  }
0xbb: {  	s0 =	sor.u32 s1, s0  }
0xbc: {  	s0 =	sadd.s32 $0x8F2B, s0  }
0xbd: {  	[sflag:s0] =	ssyncadd.remote.s32 $0x1  }
0xbe: {  	_ =	sfence.sel $0xFFFF  }
0xbf: {  	[dreg:$0x0] =	wrdreg $0xFFFFFFFF;
	(pc) =	sbr.abs _section_cstart, $3  }
0xc0: {  	[dreg:$0x1] =	wrdreg $0xFFFFFFFF  }
0xc1: {  	_ =	task.clear_ibuf [dreg:s7], $0x2FFFF;
	_ =	strace $0x9FFFFFFF  }
0xc2: {  	(tm) =	ssettm $0x7FFFFFFF  }
0xc3: {  	_ =	shalt  }
tec
execute0_lowered:
.L_overlay_start_1:
0x0: {  	(tag) =	ssettag $0x1  }
0x1: {  	s1 =	srdreg.scid  }
0x2: {  	s1 =	sand.u32 $0x1, s1  }
0x3: {  	p0 =	seq.s32 s1, $0x1  }
.Ltmp0:
0x4: {  	_ = 	snop;
	(pc) =	sbr.rel @p0 .LBB2_6-.Ltmp0, $4  }
0x5: {  	s3 =	rddreg [dreg:$0x0]  }
0x6: {  	s2 =	rddreg [dreg:$0x1];
	s4 =	simm.s32 $0x0  }
0x7: {  	[smem:$0x7FF] =	sst s4  }
0x8: {  	s0 =	rddreg [dreg:$0x2];
	_ =	strace $0x80000047;
	s1 =	stileid.u32  }
0x9: {  	s5 =	sshrl.u32 s1, $0x3  }
0xa: {  	s6 =	sshll.u32 s1, $0x7;
	s5 =	smul.u32 $0x13C00, s5  }
0xb: {  	s6 =	sand.u32 $0x380, s6  }
0xc: {  	s5 =	sor.u32 s6, s5  }
0xd: {  	s30 =	simm.s32 $0x80;
	s5 =	sshrl.u32 s5, $0x3  }
0xe: {  	s7 =	simm.s32 $0x400;
	s31 =	simm.s32 $0x1;
	s3 =	sadd.s32 s3, s5  }
0xf: {  	[tilespmem:s4], [sflag:$0x1] =	stream.strided.gather [hbm4b:s3+s30], $0x2780, s7, s30, $0x38;
	[tilespmem:$0x4F00] =	vst v63  }
0x10: {  	s2 =	sadd.s32 s5, s2;
	_ =	swait.ge [sflag:s31], $0x2780  }
0x11: {  	s2 =	sadd.s32 $0x800, s2;
	[sflag:s31] =	ssyncset.done $0x0  }
0x12: {  	v0 =	vimm.f32 $0.0e+00;
	s3 =	simm.s32 $0x40;
	s4 =	simm.s32 $0x0;
	[sflag:s31] =	ssyncadd.s32 $0xFFFFD880  }
.LBB2_2:
0x13: {  	p0 =	sne.s32 s3, $0x9C00;
	[tilespmem:s4+$0x2780] =	vst v0;
	s4 =	smov.u32 s3;
	s3 =	sadd.s32 $0x40, s3  }
.Ltmp1:
0x14: {  	(pc) =	sbr.rel @p0 .LBB2_2-.Ltmp1, $2  }
0x15: {  	_ =	sdelay $0x2  }
0x16: {  	s4 =	sshra.s32 s4, $0x2  }
0x17: {  	[tilespmem:s4+$0x2780] =	vst v0;
	s3 =	simm.s32 $0x0;
	v0 =	vimm.f32 $1.000000000e+00;
	s4 =	simm.s32 $0x2780  }
.LBB2_4:
0x18: {  	s5 =	sshra.s32 s3, $0x2  }
0x19: {  	v1 =	vld [tilespmem:s5+$0x0];
	_ =	sdelay $0x7  }
0x1a: {  	[tilespmem:v1+s4+$0x0] =	vst.idx.add.f32.msk $0xffff, v0  }
0x1b: {  	v1 =	vld [tilespmem:s5+$0x10];
	_ =	sdelay $0x7  }
0x1c: {  	[tilespmem:v1+s4+$0x0] =	vst.idx.add.f32.msk $0xffff, v0  }
0x1d: {  	v1 =	vld [tilespmem:s5+$0x20];
	_ =	sdelay $0x7  }
0x1e: {  	[tilespmem:v1+s4+$0x0] =	vst.idx.add.f32.msk $0xffff, v0  }
0x1f: {  	v1 =	vld [tilespmem:s5+$0x30];
	_ =	sdelay $0x7  }
0x20: {  	[tilespmem:v1+s4+$0x0] =	vst.idx.add.f32.msk $0xffff, v0  }
0x21: {  	v1 =	vld [tilespmem:s5+$0x40];
	_ =	sdelay $0x2  }
0x22: {  	p0 =	sne.s32 s3, $0x9B00  }
.Ltmp2:
0x23: {  	_ = 	snop;
	(pc) =	sbr.rel @p0 .LBB2_4-.Ltmp2, $2  }
0x24: {  	_ =	sdelay $0x2  }
0x25: {  	s3 =	sadd.s32 $0x140, s3;
	[tilespmem:v1+s4+$0x0] =	vst.idx.add.f32.msk $0xffff, v0  }
0x26: {  	s3 =	simm.s32 $0x80  }
0x27: {  	s4 =	simm.s32 $0x400;
	s5 =	simm.s32 $0x2780;
	s31 =	simm.s32 $0x1  }
0x28: {  	[hbm4b:s2+s3] =	stream.strided.scatter [tilespmem:s5], [sflag:$0x1], $0x2780, s4, s3, $0x38;
	[tilespmem:$0x4F00] =	vst v63  }
0x29: {  	_ =	swait.ge [sflag:s31], $0x2780  }
0x2a: {  	[sflag:s31] =	ssyncset.done $0x0  }
0x2b: {  	[sflag:s31] =	ssyncadd.s32 $0xFFFFD880  }
.LBB2_6:
0x2c: {  	_ =	sfence.sel $0x180000  }
0x2d: {  	[bflag:$0x0] =	sbarrier.arrive $0xFFFF  }
0x2e: {  	p0 =	sne.s32 s1, $0x0;
	_ =	strace $0x90000047  }
0x2f: {  	s0 =	sadd.s32 @!p0 $0x100000, s0;
	[bflag:$0x2] =	sbarrier.arrive $0xFFFF  }
0x30: {  	[sflag:s0] =	ssyncadd.tile.s32 @!p0 $0x1;
	_ =	shalt  }
.Lfunc_end2:
_tile_overlayer_lowered:
.L_overlay_start_2:
0x31: {  	(tag) =	ssettag $0x2  }
0x32: {  	s0 =	rddreg [dreg:$0x0];
	s2 =	stileid.u32  }
0x33: {  	s1 =	rddreg [dreg:$0x1];
	p0 =	sne.s32 s2, $0x0  }
0x34: {  	s3 =	rddreg [dreg:$0x2];
	[bflag:$0x3] =	sbarrier.arrive $0xFFFF;
	s2 =	simm.s32 @!p0 $0x1C01  }
0x35: {  	[timem:s3], [sflag:s2] =	dma.local @!p0 [hbm:s0], s1  }
0x36: {  	s0 =	simm.s32 @!p0 $0x1  }
0x37: {  	_ =	swait.ge @!p0 [sflag:s0], s1  }
0x38: {  	s1 =	ssub.s32 @!p0 $0x0, s1;
	[sflag:s0] =	ssyncset.done @!p0 $0x0  }
0x39: {  	[sflag:s0] =	ssyncadd.s32 @!p0 s1  }
0x3a: {  	[bflag:$0x3] =	sbarrier.arrive $0xFFFF  }
0x3b: {  	_ =	shalt  }

// kernel: kernel.9.cloned.1.call-start
scs
__scs_entry_jumppad:
0x0: {  	(pc) =	sbr.rel $0x88, $3  }
0x1: {  	(tag) =	ssettag $0x0;
	lr =	simm.s32 $0x1  }
0x2: {  	[smem:$0x3F9D] =	sst lr;
	_ =	strace $0xD0000000  }
0x3: {  	_ = 	snop  }
0x4: {  	_ = 	snop  }
0x5: {  	_ = 	snop  }
0x6: {  	_ = 	snop  }
0x7: {  	_ = 	snop  }
__scs_overlays_trampoline_lowered:
0x8: {  	[smem:$0x3FAC] =	sst s0  }
0x9: {  	[smem:$0x3FAD] =	sst s1  }
0xa: {  	[smem:$0x3FAE] =	sst s2  }
0xb: {  	[smem:$0x3FAF] =	sst s3  }
0xc: {  	[smem:$0x3FB0] =	sst s4  }
0xd: {  	[smem:$0x3FB1] =	sst s5  }
0xe: {  	[smem:$0x3FB2] =	sst s6  }
0xf: {  	[smem:$0x3FB3] =	sst s7  }
0x10: {  	[smem:$0x3FB4] =	sst s8  }
0x11: {  	[smem:$0x3FB5] =	sst s9;
	s0 =	simm.s32 @!p0 $0x0  }
0x12: {  	s1 =	sld [smem:$0x3F9B];
	s0 =	simm.s32 @p0 $0x1  }
0x13: {  	[smem:$0x3FB6] =	sst s0;
	s0 =	simm.s32 @!p1 $0x0  }
0x14: {  	s2 =	sld [smem:$0x3F9A];
	s0 =	simm.s32 @p1 $0x1  }
0x15: {  	[smem:$0x3FB7] =	sst s0;
	s0 =	simm.s32 @!p2 $0x0  }
0x16: {  	s3 =	sld [smem:$0x3FDB];
	s0 =	simm.s32 @p2 $0x1  }
0x17: {  	s4 =	simm.s32 $0x1BF5;
	[smem:$0x3FB9] =	sst s0  }
0x18: {  	s0 =	sld [smem:$0x3F9C];
	_ =	swait.ge [sflag:s4], $0x0  }
0x19: {  	s7 =	sld [smem:$0x3F9D]  }
0x1a: {  	s8 =	sadd.s32 $0xFFFFE003, lr  }
0x1b: {  	s9 =	sadd.s32 $0xFFFFFEF7, lr;
	s5 =	simm.s32 $0xFFFFFFFF;
	p2 =	slt.u32 s8, $0xFFFFF086  }
0x1c: {  	p1 =	slt.u32 s9, $0xF7A;
	s5 =	simm.s32 @!p2 $0x0  }
0x1d: {  	s5 =	simm.s32 @p1 $0x1;
	p0 =	seq.s32 s7, s2  }
0x1e: {  	s7 =	smul.u32 @!p0 $0xF7A, s2;
	p2 =	seq.s32 @!p0 s5, $0x0  }
0x1f: {  	s9 =	smul.u32 $0xF7A, s1;
	s8 =	simm.s32 @!p0 $0x1BF5;
	p2 =	por !p2, p0  }
0x20: {  	[sflag:s8] =	ssyncset.s32 @!p0 $0xFFFFF086;
	s6 =	sadd.s32 @!p0 s3, s7;
	s7 =	simm.s32 @!p0 $0x108  }
0x21: {  	s3 =	sadd.s32 s3, s9;
	s6 =	sadd.s32 @!p0 $0x88, s6;
	s7 =	simm.s32 @p2 $0x1082  }
0x22: {  	[simem:s7], [sflag:s8] =	dma.local @!p0 [hbm:s6], $0xF7A  }
0x23: {  	s9 =	sor.u32 $0xD0000000, s2;
	s6 =	simm.s32 $0x108;
	_ =	swait.ge @!p0 [sflag:s8], $0x0  }
0x24: {  	s3 =	sadd.s32 $0x88, s3;
	s6 =	simm.s32 @!p1 $0x1082;
	[sflag:s4] =	ssyncset.s32 $0xFFFFF086  }
0x25: {  	[simem:s6], [sflag:s4] =	dma.local [hbm:s3], $0xF7A  }
0x26: {  	[smem:$0x3F9D] =	sst s1;
	(tag) =	ssettag s2;
	_ =	strace s9  }
0x27: {  	s1 =	sld [smem:$0x3FAD]  }
0x28: {  	s2 =	sld [smem:$0x3FAE]  }
0x29: {  	s4 =	sld [smem:$0x3FB0]  }
0x2a: {  	p0 =	seq.s32 s5, $0x0;
	s5 =	sld [smem:$0x3FB1]  }
0x2b: {  	s6 =	sld [smem:$0x3FB2]  }
0x2c: {  	s7 =	sld [smem:$0x3FB3]  }
0x2d: {  	s3 =	simm.s32 $0x108;
	s8 =	sld [smem:$0x3FB4]  }
0x2e: {  	s3 =	simm.s32 @!p0 $0x1082;
	s9 =	sld [smem:$0x3FB5]  }
0x2f: {  	lr =	sadd.s32 s0, s3;
	s0 =	sld [smem:$0x3FAC]  }
0x30: {  	s3 =	sld [smem:$0x3FAF]  }
0x31: {  	[smem:$0x3FB8] =	sst s10  }
0x32: {  	s10 =	sld [smem:$0x3FB6];
	_ =	sdelay $0x3  }
0x33: {  	p0 =	seq.s32 s10, $0x1;
	s10 =	sld [smem:$0x3FB8];
	_ =	sdelay $0x3  }
0x34: {  	[smem:$0x3FB8] =	sst s10  }
0x35: {  	s10 =	sld [smem:$0x3FB7];
	_ =	sdelay $0x3  }
0x36: {  	p1 =	seq.s32 s10, $0x1;
	s10 =	sld [smem:$0x3FB8];
	_ =	sdelay $0x3  }
0x37: {  	[smem:$0x3FB8] =	sst s10  }
0x38: {  	s10 =	sld [smem:$0x3FB9]  }
0x39: {  	_ = 	snop;
	(pc) =	sbr.ind lr, $3  }
0x3a: {  	_ = 	snop  }
0x3b: {  	_ = 	snop  }
0x3c: {  	p2 =	seq.s32 s10, $0x1;
	s10 =	sld [smem:$0x3FB8]  }
0x3d: {  	_ =	shalt  }
0x3e: {  	_ =	shalt  }
0x3f: {  	_ =	shalt  }
0x40: {  	_ =	shalt  }
0x41: {  	_ =	shalt  }
0x42: {  	_ =	shalt  }
0x43: {  	_ =	shalt  }
0x44: {  	_ =	shalt  }
0x45: {  	_ =	shalt  }
0x46: {  	_ =	shalt  }
0x47: {  	_ =	shalt  }
0x48: {  	_ =	shalt  }
0x49: {  	_ =	shalt  }
0x4a: {  	_ =	shalt  }
0x4b: {  	_ =	shalt  }
0x4c: {  	_ =	shalt  }
0x4d: {  	_ =	shalt  }
0x4e: {  	_ =	shalt  }
0x4f: {  	_ =	shalt  }
0x50: {  	_ =	shalt  }
0x51: {  	_ =	shalt  }
0x52: {  	_ =	shalt  }
0x53: {  	_ =	shalt  }
0x54: {  	_ =	shalt  }
0x55: {  	_ =	shalt  }
0x56: {  	_ =	shalt  }
0x57: {  	_ =	shalt  }
0x58: {  	_ =	shalt  }
0x59: {  	_ =	shalt  }
0x5a: {  	_ =	shalt  }
0x5b: {  	_ =	shalt  }
0x5c: {  	_ =	shalt  }
0x5d: {  	_ =	shalt  }
0x5e: {  	_ =	shalt  }
0x5f: {  	_ =	shalt  }
0x60: {  	_ =	shalt  }
0x61: {  	_ =	shalt  }
0x62: {  	_ =	shalt  }
0x63: {  	_ =	shalt  }
0x64: {  	_ =	shalt  }
0x65: {  	_ =	shalt  }
0x66: {  	_ =	shalt  }
0x67: {  	_ =	shalt  }
0x68: {  	_ =	shalt  }
0x69: {  	_ =	shalt  }
0x6a: {  	_ =	shalt  }
0x6b: {  	_ =	shalt  }
0x6c: {  	_ =	shalt  }
0x6d: {  	_ =	shalt  }
0x6e: {  	_ =	shalt  }
0x6f: {  	_ =	shalt  }
0x70: {  	_ =	shalt  }
0x71: {  	_ =	shalt  }
0x72: {  	_ =	shalt  }
0x73: {  	_ =	shalt  }
0x74: {  	_ =	shalt  }
0x75: {  	_ =	shalt  }
0x76: {  	_ =	shalt  }
0x77: {  	_ =	shalt  }
0x78: {  	_ =	shalt  }
0x79: {  	_ =	shalt  }
0x7a: {  	_ =	shalt  }
0x7b: {  	_ =	shalt  }
0x7c: {  	_ =	shalt  }
0x7d: {  	_ =	shalt  }
0x7e: {  	_ =	shalt  }
0x7f: {  	_ =	shalt  }
0x80: {  	_ =	shalt  }
0x81: {  	_ =	shalt  }
0x82: {  	_ =	shalt  }
0x83: {  	_ =	shalt  }
0x84: {  	_ =	shalt  }
0x85: {  	_ =	shalt  }
0x86: {  	_ =	shalt  }
0x87: {  	_ =	shalt  }
.Lfunc_end0:
.L_simem_size_0:
called_computation.1_lowered:
.L_overlay_start_0:
0x88: {  	s2 =	sld [smem:$0x3FD9]  }
0x89: {  	s3 =	sld [smem:$0x3FFE];
	_ =	sdelay $0x1  }
0x8a: {  	s1 =	srdreg.scid  }
0x8b: {  	s0 =	sand.u32 $0x1, s1  }
0x8c: {  	s17 =	sshll.u32 s0, $0xA;
	s2 =	sadd.s32 s3, s2  }
0x8d: {  	s2 =	sadd.s32 s2, s17  }
0x8e: {  	[smem:$0x3FC4] =	sst s2  }
0x8f: {  	_ = 	snop  }
0x90: {  	s2 =	sld [smem:$0x3FD0];
	(tm) =	ssettm $0x1  }
0x91: {  	s18 =	sld [smem:$0x3FFB];
	_ =	sdelay $0x3  }
0x92: {  	_ =	strace s18  }
0x93: {  	s3 =	sld [smem:$0x3FFC];
	_ =	sdelay $0x3  }
0x94: {  	_ =	strace s3  }
0x95: {  	s3 =	sld [smem:$0x3FFD];
	_ =	sdelay $0x3  }
0x96: {  	_ =	strace s3  }
0x97: {  	_ =	strace $0x8FFFFFFF  }
0x98: {  	s19 =	sld [smem:$0x3FDB];
	_ =	sdelay $0x1  }
0x99: {  	s4 =	simm.s32 $_scs_section_size  }
0x9a: {  	s5 =	simm.s32 $_size__tile_overlayer_lowered;
	s6 =	simm.s32 $_tile_overlayer_lowered  }
0x9b: {  	s22 =	simm.s32 $0x1BFF;
	s21 =	sshll.u32 s6, $0x1;
	s3 =	sadd.s32 s4, s19  }
0x9c: {  	s7 =	simm.s32 $0x0;
	s20 =	sshll.u32 s5, $0x1;
	s5 =	sadd.s32 s21, s3  }
0x9d: {  	[timem:s7], [sflag:s22] =	dma.local [hbm:s5], s20  }
0x9e: {  	_ =	swait.ge [sflag:s22], s20  }
0x9f: {  	s4 =	ssub.s32 $0x0, s20;
	[sflag:s22] =	ssyncset.done $0x0  }
0xa0: {  	[sflag:s22] =	ssyncadd.s32 s4;
	_ =	sdelay $0x1  }
0xa1: {  	s23 =	simm.s32 $0x1B8B  }
0xa2: {  	_ =	swait.ge [sflag:s23], $0x1  }
0xa3: {  	[sflag:s23] =	ssyncset.done $0x0  }
0xa4: {  	s25 =	simm.s32 $0x1B8E;
	s24 =	sld [smem:$0x3FFE];
	[sflag:s23] =	ssyncadd.s32 $0xFFFFFFFF  }
0xa5: {  	s26 =	simm.s32 $execute0_lowered;
	[smem:$0x3FD2] =	sst s25  }
0xa6: {  	s5 =	sshll.u32 s26, $0x1;
	_ =	strace $0x80000049;
	[dreg:$0x1] =	wrdreg $0xFFFFFFFF  }
0xa7: {  	s28 =	simm.s32 $_size_execute0_lowered;
	s3 =	sadd.s32 s3, s5;
	[dreg:$0x0] =	wrdreg $0x0  }
0xa8: {  	s5 =	sshll.u32 s28, $0x1;
	[dreg:$0x2] =	wrdreg s3  }
0xa9: {  	[dreg:$0x3] =	wrdreg s5  }
0xaa: {  	[dreg:$0x4] =	wrdreg $0xC0  }
0xab: {  	_ =	task [dreg:s7], $0x5FFFF  }
0xac: {  	[dreg:$0x1] =	wrdreg $0xFFFFFFFF  }
0xad: {  	[dreg:$0x0] =	wrdreg $0x60  }
0xae: {  	[dreg:$0x2] =	wrdreg s24  }
0xaf: {  	[dreg:$0x3] =	wrdreg s2  }
0xb0: {  	[dreg:$0x4] =	wrdreg $0xA8000  }
0xb1: {  	[dreg:$0x5] =	wrdreg $0x9  }
0xb2: {  	_ =	task.clear_ibuf [dreg:s7], $0x6FFFF;
	_ =	strace $0x90000049  }
0xb3: {  	s29 =	simm.s32 $0x9;
	_ =	strace $0x8000004B  }
0xb4: {  	_ =	swait.ge [sflag:s29], $0x1  }
0xb5: {  	[sflag:s29] =	ssyncadd.s32 $0xFFFFFFFF  }
0xb6: {  	_ =	strace $0x9000004B  }
0xb7: {  	_ =	sfence  }
0xb8: {  	s30 =	sld [smem:$0x0];
	_ =	sdelay $0x2  }
0xb9: {  	s31 =	sshll.u32 s1, $0xD;
	s1 =	sshrl.u32 s1, $0x2  }
0xba: {  	s3 =	sand.u32 $0x4000, s31;
	s1 =	sadd.s32 s1, s30  }
0xbb: {  	s0 =	sor.u32 s3, s0;
	s1 =	sshll.u32 s1, $0x11  }
0xbc: {  	s0 =	sor.u32 s1, s0  }
0xbd: {  	s0 =	sadd.s32 $0x8F2B, s0  }
0xbe: {  	[sflag:s0] =	ssyncadd.remote.s32 $0x1  }
0xbf: {  	_ =	sfence.sel $0xFFFF  }
0xc0: {  	[dreg:$0x0] =	wrdreg $0xFFFFFFFF;
	(pc) =	sbr.abs _section_cstart, $3  }
0xc1: {  	[dreg:$0x1] =	wrdreg $0xFFFFFFFF  }
0xc2: {  	_ =	task.clear_ibuf [dreg:s7], $0x2FFFF;
	_ =	strace $0x9FFFFFFF  }
0xc3: {  	(tm) =	ssettm $0x7FFFFFFF  }
tec
execute0_lowered:
.L_overlay_start_1:
0x0: {  	(tag) =	ssettag $0x1  }
0x1: {  	s4 =	rddreg [dreg:$0x0]  }
0x2: {  	s0 =	srdreg.scid;
	s9 =	rddreg [dreg:$0x1]  }
0x3: {  	s11 =	stileid.u32;
	s1 =	rddreg [dreg:$0x2];
	s2 =	simm.s32 $0x0  }
0x4: {  	s13 =	simm.s32 $0x7D;
	s14 =	simm.s32 $0x2800;
	s16 =	simm.s32 $0x1  }
0x5: {  	s17 =	simm.s32 $0x6800;
	s18 =	simm.s32 $0x2;
	s19 =	simm.s32 $0x1380  }
0x6: {  	s20 =	simm.s32 $0x2700;
	s21 =	simm.s32 $0x2780;
	s22 =	simm.s32 $0x0  }
0x7: {  	s6 =	sand.u32 $0x1, s0;
	s5 =	smul.u32 $0x2800, s11;
	s0 =	rddreg [dreg:$0x3]  }
0x8: {  	[smem:$0x7FF] =	sst s2;
	p0 =	sne.s32 s11, $0x0;
	s11 =	simm.s32 $0x3  }
0x9: {  	s3 =	smul.u32 $0x28000, s6;
	_ =	strace $0x8000004A;
	s31 =	ssub.s32 $0x2, s6  }
0xa: {  	s12 =	smul.u32 $0x27100, s6;
	s15 =	sshrl.u32 @!p0 s1, $0x3;
	s10 =	sshrl.u32 s31, $0x1  }
0xb: {  	s3 =	sadd.s32 s5, s3;
	s5 =	sshrl.u32 s5, $0x3;
	s10 =	ssub.s32 s31, s10  }
0xc: {  	s9 =	sadd.s32 s9, s12;
	s12 =	simm.s32 $0x1400;
	s3 =	sshrl.u32 s3, $0x3  }
0xd: {  	s8 =	sadd.s32 s5, s4;
	s10 =	smax.u32 s10, $0x1;
	s7 =	sadd.s32 s3, s4  }
0xe: {  	s3 =	sadd.s32 $0x14800, s4;
	s4 =	sadd.s32 $0x62A00, s4;
	s6 =	sadd.s32 $0x5800, s8  }
0xf: {  	s8 =	sadd.s32 $0x5A80, s8;
	s5 =	sadd.s32 $0xA800, s7;
	s7 =	sadd.s32 $0xAA80, s7  }
.LBB2_1:
0x10: {  	[tilespmem:s2], [sflag:$0x3] =	stream.linear.gather [hbm4b:s5+s2], $0x1400, $0x38;
	[tilespmem:$0x1E080] =	vst v63  }
0x11: {  	_ =	swait.ge [sflag:s11], $0x1400  }
0x12: {  	[sflag:s11] =	ssyncset.done $0x0  }
0x13: {  	[sflag:s11] =	ssyncadd.s32 $0xFFFFEC00  }
0x14: {  	[tilespmem:s12], [sflag:$0x3] =	stream.linear.gather [hbm4b:s6+s2], $0x1400, $0x38;
	[tilespmem:$0x1E080] =	vst v63  }
0x15: {  	_ =	swait.ge [sflag:s11], $0x1400  }
0x16: {  	[sflag:s11] =	ssyncset.done $0x0  }
0x17: {  	s23 =	simm.s32 @!p0 $0x1C03;
	[sflag:s11] =	ssyncadd.s32 $0xFFFFEC00  }
0x18: {  	[tilespmem:s14], [sflag:$0x1] =	stream.indirect.gather [hbm4b:s3+s13], $0x80, s2, s13, $0xb8;
	[tilespmem:$0x1E080] =	vst v63  }
0x19: {  	[spmem:s15], [sflag:s23] =	dma.local @!p0 [hbm:s4], $0x27100  }
0x1a: {  	s23 =	simm.s32 @!p0 $0x3  }
0x1b: {  	_ =	swait.ge @!p0 [sflag:s23], $0x27100  }
0x1c: {  	[sflag:s23] =	ssyncset.done @!p0 $0x0  }
0x1d: {  	[sflag:s23] =	ssyncadd.s32 @!p0 $0xFFFD8F00  }
0x1e: {  	[bflag:$0x0] =	sbarrier.arrive $0xFFFF  }
0x1f: {  	_ =	swait.ge [sflag:s16], $0x3E80  }
0x20: {  	[sflag:s16] =	ssyncset.done $0x0  }
0x21: {  	s28 =	simm.s32 $0x80;
	[sflag:s16] =	ssyncadd.s32 $0xFFFFC180  }
0x22: {  	[tilespmem:s17], [sflag:$0x2] =	stream.indirect.gather [hbm4b:s3+s13], $0x80, s28, s13, $0xb8;
	[tilespmem:$0x1E080] =	vst v63  }
0x23: {  	s29 =	simm.s32 $0x1400  }
0x24: {  	[spmem:s1] =	stream.indirect.scatter.add.f32 [tilespmem:s14], [sflag:$0x3], $0x80, s29, s13, $0xb8;
	[tilespmem:$0x1E080] =	vst v63  }
0x25: {  	_ =	swait.ge [sflag:s11], $0x3E80  }
0x26: {  	[sflag:s11] =	ssyncset.done $0x0  }
0x27: {  	[sflag:s11] =	ssyncadd.s32 $0xFFFFC180  }
0x28: {  	_ =	swait.ge [sflag:s18], $0x3E80  }
0x29: {  	[sflag:s18] =	ssyncset.done $0x0  }
0x2a: {  	s30 =	simm.s32 $0x100;
	[sflag:s18] =	ssyncadd.s32 $0xFFFFC180  }
0x2b: {  	[tilespmem:s14], [sflag:$0x1] =	stream.indirect.gather [hbm4b:s3+s13], $0x80, s30, s13, $0xb8;
	[tilespmem:$0x1E080] =	vst v63  }
0x2c: {  	s31 =	simm.s32 $0x1480  }
0x2d: {  	[spmem:s1] =	stream.indirect.scatter.add.f32 [tilespmem:s17], [sflag:$0x3], $0x80, s31, s13, $0xb8;
	[tilespmem:$0x1E080] =	vst v63  }
0x2e: {  	_ =	swait.ge [sflag:s11], $0x3E80  }
0x2f: {  	s23 =	simm.s32 $0x400;
	[sflag:s11] =	ssyncset.done $0x0  }
.LBB2_2:
0x30: {  	p1 =	sne.s32 s23, $0x4800  }
0x31: {  	[sflag:s11] =	ssyncadd.s32 $0xFFFFC180;
	s24 =	smov.u32 s23;
	s23 =	sadd.s32 $0x400, s23  }
0x32: {  	_ = 	snop  }
0x33: {  	_ =	swait.ge [sflag:s16], $0x3E80  }
0x34: {  	s24 =	sshra.s32 s24, $0x2;
	[sflag:s16] =	ssyncset.done $0x0  }
0x35: {  	s25 =	sadd.s32 $0x80, s24;
	[sflag:s16] =	ssyncadd.s32 $0xFFFFC180  }
0x36: {  	[tilespmem:s17], [sflag:$0x2] =	stream.indirect.gather [hbm4b:s3+s13], $0x80, s25, s13, $0xb8;
	[tilespmem:$0x1E080] =	vst v63  }
0x37: {  	s25 =	sadd.s32 $0x1400, s24  }
0x38: {  	[spmem:s1] =	stream.indirect.scatter.add.f32 [tilespmem:s14], [sflag:$0x3], $0x80, s25, s13, $0xb8;
	[tilespmem:$0x1E080] =	vst v63  }
0x39: {  	_ =	swait.ge [sflag:s11], $0x3E80  }
0x3a: {  	[sflag:s11] =	ssyncset.done $0x0  }
0x3b: {  	[sflag:s11] =	ssyncadd.s32 $0xFFFFC180  }
0x3c: {  	_ =	swait.ge [sflag:s18], $0x3E80  }
0x3d: {  	[sflag:s18] =	ssyncset.done $0x0  }
0x3e: {  	s25 =	sadd.s32 $0x100, s24;
	[sflag:s18] =	ssyncadd.s32 $0xFFFFC180  }
0x3f: {  	[tilespmem:s14], [sflag:$0x1] =	stream.indirect.gather [hbm4b:s3+s13], $0x80, s25, s13, $0xb8;
	[tilespmem:$0x1E080] =	vst v63  }
.Ltmp0:
0x40: {  	_ = 	snop;
	(pc) =	sbr.rel @p1 .LBB2_2-.Ltmp0, $4  }
0x41: {  	s24 =	sadd.s32 $0x1480, s24  }
0x42: {  	[spmem:s1] =	stream.indirect.scatter.add.f32 [tilespmem:s17], [sflag:$0x3], $0x80, s24, s13, $0xb8;
	[tilespmem:$0x1E080] =	vst v63  }
0x43: {  	_ =	swait.ge [sflag:s11], $0x3E80  }
0x44: {  	[sflag:s11] =	ssyncset.done $0x0  }
0x45: {  	[sflag:s11] =	ssyncadd.s32 $0xFFFFC180  }
0x46: {  	_ =	swait.ge [sflag:s16], $0x3E80  }
0x47: {  	[sflag:s16] =	ssyncset.done $0x0  }
0x48: {  	[sflag:s16] =	ssyncadd.s32 $0xFFFFC180  }
0x49: {  	[tilespmem:s17], [sflag:$0x2] =	stream.indirect.gather [hbm4b:s3+s13], $0x80, s19, s13, $0xb8;
	[tilespmem:$0x1E080] =	vst v63  }
0x4a: {  	_ = 	snop  }
0x4b: {  	[spmem:s1] =	stream.indirect.scatter.add.f32 [tilespmem:s14], [sflag:$0x3], $0x80, s20, s13, $0xb8;
	[tilespmem:$0x1E080] =	vst v63  }
0x4c: {  	_ =	swait.ge [sflag:s11], $0x3E80  }
0x4d: {  	[sflag:s11] =	ssyncset.done $0x0  }
0x4e: {  	[sflag:s11] =	ssyncadd.s32 $0xFFFFC180  }
0x4f: {  	_ =	swait.ge [sflag:s18], $0x3E80  }
0x50: {  	[sflag:s18] =	ssyncset.done $0x0  }
0x51: {  	[sflag:s18] =	ssyncadd.s32 $0xFFFFC180  }
0x52: {  	[spmem:s1] =	stream.indirect.scatter.add.f32 [tilespmem:s17], [sflag:$0x3], $0x80, s21, s13, $0xb8;
	[tilespmem:$0x1E080] =	vst v63  }
0x53: {  	_ =	swait.ge [sflag:s11], $0x3E80  }
0x54: {  	[sflag:s11] =	ssyncset.done $0x0  }
0x55: {  	s23 =	simm.s32 $0x0;
	[sflag:s11] =	ssyncadd.s32 $0xFFFFC180  }
0x56: {  	[tilespmem:s23], [sflag:$0x3] =	stream.linear.gather [hbm4b:s7+s23], $0x1400, $0x38;
	[tilespmem:$0x1E080] =	vst v63  }
0x57: {  	_ =	swait.ge [sflag:s11], $0x1400  }
0x58: {  	[sflag:s11] =	ssyncset.done $0x0  }
0x59: {  	[sflag:s11] =	ssyncadd.s32 $0xFFFFEC00  }
0x5a: {  	[tilespmem:s12], [sflag:$0x3] =	stream.linear.gather [hbm4b:s8+s23], $0x1400, $0x38;
	[tilespmem:$0x1E080] =	vst v63  }
0x5b: {  	_ =	swait.ge [sflag:s11], $0x1400  }
0x5c: {  	[sflag:s11] =	ssyncset.done $0x0  }
0x5d: {  	[sflag:s11] =	ssyncadd.s32 $0xFFFFEC00  }
0x5e: {  	[tilespmem:s14], [sflag:$0x1] =	stream.indirect.gather [hbm4b:s3+s13], $0x80, s23, s13, $0xb8;
	[tilespmem:$0x1E080] =	vst v63  }
0x5f: {  	_ =	swait.ge [sflag:s16], $0x3E80  }
0x60: {  	[sflag:s16] =	ssyncset.done $0x0  }
0x61: {  	s28 =	simm.s32 $0x80;
	[sflag:s16] =	ssyncadd.s32 $0xFFFFC180  }
0x62: {  	[tilespmem:s17], [sflag:$0x2] =	stream.indirect.gather [hbm4b:s3+s13], $0x80, s28, s13, $0xb8;
	[tilespmem:$0x1E080] =	vst v63  }
0x63: {  	s29 =	simm.s32 $0x1400  }
0x64: {  	[spmem:s1] =	stream.indirect.scatter.add.f32 [tilespmem:s14], [sflag:$0x3], $0x80, s29, s13, $0xb8;
	[tilespmem:$0x1E080] =	vst v63  }
0x65: {  	_ =	swait.ge [sflag:s11], $0x3E80  }
0x66: {  	[sflag:s11] =	ssyncset.done $0x0  }
0x67: {  	[sflag:s11] =	ssyncadd.s32 $0xFFFFC180  }
0x68: {  	_ =	swait.ge [sflag:s18], $0x3E80  }
0x69: {  	[sflag:s18] =	ssyncset.done $0x0  }
0x6a: {  	s30 =	simm.s32 $0x100;
	[sflag:s18] =	ssyncadd.s32 $0xFFFFC180  }
0x6b: {  	[tilespmem:s14], [sflag:$0x1] =	stream.indirect.gather [hbm4b:s3+s13], $0x80, s30, s13, $0xb8;
	[tilespmem:$0x1E080] =	vst v63  }
0x6c: {  	s31 =	simm.s32 $0x1480  }
0x6d: {  	[spmem:s1] =	stream.indirect.scatter.add.f32 [tilespmem:s17], [sflag:$0x3], $0x80, s31, s13, $0xb8;
	[tilespmem:$0x1E080] =	vst v63  }
0x6e: {  	_ =	swait.ge [sflag:s11], $0x3E80  }
0x6f: {  	s23 =	simm.s32 $0x400;
	[sflag:s11] =	ssyncset.done $0x0  }
.LBB2_4:
0x70: {  	p1 =	sne.s32 s23, $0x4800  }
0x71: {  	[sflag:s11] =	ssyncadd.s32 $0xFFFFC180;
	s24 =	smov.u32 s23;
	s23 =	sadd.s32 $0x400, s23  }
0x72: {  	_ = 	snop  }
0x73: {  	_ =	swait.ge [sflag:s16], $0x3E80  }
0x74: {  	s24 =	sshra.s32 s24, $0x2;
	[sflag:s16] =	ssyncset.done $0x0  }
0x75: {  	s25 =	sadd.s32 $0x80, s24;
	[sflag:s16] =	ssyncadd.s32 $0xFFFFC180  }
0x76: {  	[tilespmem:s17], [sflag:$0x2] =	stream.indirect.gather [hbm4b:s3+s13], $0x80, s25, s13, $0xb8;
	[tilespmem:$0x1E080] =	vst v63  }
0x77: {  	s25 =	sadd.s32 $0x1400, s24  }
0x78: {  	[spmem:s1] =	stream.indirect.scatter.add.f32 [tilespmem:s14], [sflag:$0x3], $0x80, s25, s13, $0xb8;
	[tilespmem:$0x1E080] =	vst v63  }
0x79: {  	_ =	swait.ge [sflag:s11], $0x3E80  }
0x7a: {  	[sflag:s11] =	ssyncset.done $0x0  }
0x7b: {  	[sflag:s11] =	ssyncadd.s32 $0xFFFFC180  }
0x7c: {  	_ =	swait.ge [sflag:s18], $0x3E80  }
0x7d: {  	[sflag:s18] =	ssyncset.done $0x0  }
0x7e: {  	s25 =	sadd.s32 $0x100, s24;
	[sflag:s18] =	ssyncadd.s32 $0xFFFFC180  }
0x7f: {  	[tilespmem:s14], [sflag:$0x1] =	stream.indirect.gather [hbm4b:s3+s13], $0x80, s25, s13, $0xb8;
	[tilespmem:$0x1E080] =	vst v63  }
.Ltmp1:
0x80: {  	_ = 	snop;
	(pc) =	sbr.rel @p1 .LBB2_4-.Ltmp1, $4  }
0x81: {  	s24 =	sadd.s32 $0x1480, s24  }
0x82: {  	[spmem:s1] =	stream.indirect.scatter.add.f32 [tilespmem:s17], [sflag:$0x3], $0x80, s24, s13, $0xb8;
	[tilespmem:$0x1E080] =	vst v63  }
0x83: {  	_ =	swait.ge [sflag:s11], $0x3E80  }
0x84: {  	[sflag:s11] =	ssyncset.done $0x0  }
0x85: {  	[sflag:s11] =	ssyncadd.s32 $0xFFFFC180  }
0x86: {  	_ =	swait.ge [sflag:s16], $0x3E80  }
0x87: {  	[sflag:s16] =	ssyncset.done $0x0  }
0x88: {  	[sflag:s16] =	ssyncadd.s32 $0xFFFFC180  }
0x89: {  	[tilespmem:s17], [sflag:$0x2] =	stream.indirect.gather [hbm4b:s3+s13], $0x80, s19, s13, $0xb8;
	[tilespmem:$0x1E080] =	vst v63  }
0x8a: {  	_ = 	snop  }
0x8b: {  	[spmem:s1] =	stream.indirect.scatter.add.f32 [tilespmem:s14], [sflag:$0x3], $0x80, s20, s13, $0xb8;
	[tilespmem:$0x1E080] =	vst v63  }
0x8c: {  	_ =	swait.ge [sflag:s11], $0x3E80  }
0x8d: {  	[sflag:s11] =	ssyncset.done $0x0  }
0x8e: {  	[sflag:s11] =	ssyncadd.s32 $0xFFFFC180  }
0x8f: {  	_ =	swait.ge [sflag:s18], $0x3E80  }
0x90: {  	[sflag:s18] =	ssyncset.done $0x0  }
0x91: {  	[sflag:s18] =	ssyncadd.s32 $0xFFFFC180  }
0x92: {  	[spmem:s1] =	stream.indirect.scatter.add.f32 [tilespmem:s17], [sflag:$0x3], $0x80, s21, s13, $0xb8;
	[tilespmem:$0x1E080] =	vst v63  }
0x93: {  	_ =	swait.ge [sflag:s11], $0x3E80  }
0x94: {  	[sflag:s11] =	ssyncset.done $0x0  }
0x95: {  	s22 =	sadd.s32 $0x1, s22;
	[sflag:s11] =	ssyncadd.s32 $0xFFFFC180  }
0x96: {  	s23 =	simm.s32 @!p0 $0x1C03;
	p1 =	sne.s32 s22, s10;
	[bflag:$0x0] =	sbarrier.arrive $0xFFFF  }
0x97: {  	[hbm:s9], [sflag:s23] =	dma.local @!p0 [spmem:s15], $0x27100  }
.Ltmp2:
0x98: {  	_ = 	snop;
	(pc) =	sbr.rel @p1 .LBB2_1-.Ltmp2, $4  }
0x99: {  	s23 =	simm.s32 @!p0 $0x3  }
0x9a: {  	_ =	swait.ge @!p0 [sflag:s23], $0x27100  }
0x9b: {  	[sflag:s23] =	ssyncset.done @!p0 $0x0  }
0x9c: {  	[sflag:s23] =	ssyncadd.s32 @!p0 $0xFFFD8F00  }
0x9d: {  	_ =	sfence.sel $0x180000  }
0x9e: {  	[bflag:$0x0] =	sbarrier.arrive $0xFFFF  }
0x9f: {  	_ =	strace $0x9000004A  }
0xa0: {  	s0 =	sadd.s32 @!p0 $0x100000, s0;
	[bflag:$0x2] =	sbarrier.arrive $0xFFFF  }
0xa1: {  	[sflag:s0] =	ssyncadd.tile.s32 @!p0 $0x1;
	_ =	shalt  }
.Lfunc_end2:
_tile_overlayer_lowered:
.L_overlay_start_2:
0xa2: {  	(tag) =	ssettag $0x2  }
0xa3: {  	s0 =	rddreg [dreg:$0x0];
	s2 =	stileid.u32  }
0xa4: {  	s1 =	rddreg [dreg:$0x1];
	p0 =	sne.s32 s2, $0x0  }
0xa5: {  	s3 =	rddreg [dreg:$0x2];
	[bflag:$0x3] =	sbarrier.arrive $0xFFFF;
	s2 =	simm.s32 @!p0 $0x1C03  }
0xa6: {  	[timem:s3], [sflag:s2] =	dma.local @!p0 [hbm:s0], s1  }
0xa7: {  	s0 =	simm.s32 @!p0 $0x3  }
0xa8: {  	_ =	swait.ge @!p0 [sflag:s0], s1  }
0xa9: {  	s1 =	ssub.s32 @!p0 $0x0, s1;
	[sflag:s0] =	ssyncset.done @!p0 $0x0  }
0xaa: {  	[sflag:s0] =	ssyncadd.s32 @!p0 s1  }
0xab: {  	[bflag:$0x3] =	sbarrier.arrive $0xFFFF  }
0xac: {  	_ =	shalt  }

</sc_bundles>
